<compile_context>
chip_gen: v7x
topology: tpu7x:2x2x1
jax: 0.10.2.dev20260603
libtpu: 0.0.44.dev20260713+nightly
codegen_flags: <defaults>
</compile_context>

<pallas_src>
import functools

import jax
import jax.numpy as jnp
from jax import lax
from jax.experimental import pallas as pl
from jax.experimental.pallas import tpu as pltpu
from jax.experimental.pallas import tpu_sc as plsc

N_NODES = 10000
N_EDGES = 160000
IN_FEATS = 256
HIDDEN = 512
OUT_FEATS = 256
HALF = 128

NC = 2
NS = 16
CHUNK = 80
EPT = N_EDGES // NS
CPT = EPT // CHUNK
ZLEN = 632
ZLAST = N_NODES - (NS - 1) * ZLEN
RB = 2000



_EB = N_EDGES // (N_NODES // RB)


def _scale_split_body(x_ref, n_ref, e_ref, o_ref, src_ref, dst_ref):
    h = x_ref[...] * n_ref[...]
    o_ref[0] = h[:, :HALF]
    o_ref[1] = h[:, HALF:]
    s = e_ref[0:1, :]
    src_ref[...] = jnp.concatenate([s, s + N_NODES], axis=0)
    dst_ref[...] = e_ref[1:2, :]


def _scale_split(x, norm, edge_index):
    return pl.pallas_call(
        _scale_split_body,
        grid=(N_NODES // RB,),
        in_specs=[pl.BlockSpec((RB, IN_FEATS), lambda i: (i, 0)),
                  pl.BlockSpec((RB, 1), lambda i: (i, 0)),
                  pl.BlockSpec((2, _EB), lambda i: (0, i))],
        out_specs=[pl.BlockSpec((2, RB, HALF), lambda i: (0, i, 0)),
                   pl.BlockSpec((2, _EB), lambda i: (0, i)),
                   pl.BlockSpec((1, _EB), lambda i: (0, i))],
        out_shape=[jax.ShapeDtypeStruct((2, N_NODES, HALF), jnp.float32),
                   jax.ShapeDtypeStruct((2, N_EDGES), jnp.int32),
                   jax.ShapeDtypeStruct((1, N_EDGES), jnp.int32)],
    )(x, norm, edge_index)


def _mlp_body(agg_ref, n_ref, w1_ref, b1_ref, w2_ref, o_ref):
    a = jnp.concatenate([agg_ref[0], agg_ref[1]], axis=1)
    n = n_ref[...]
    h = a * n
    h1 = lax.dot_general(h, w1_ref[...], (((1,), (0,)), ((), ())),
                         precision=lax.Precision.DEFAULT,
                         preferred_element_type=jnp.float32) + b1_ref[...]
    h1 = jnp.maximum(h1, 0.0) * n
    z = lax.dot_general(h1, w2_ref[...], (((1,), (0,)), ((), ())),
                        precision=lax.Precision.DEFAULT,
                        preferred_element_type=jnp.float32)
    o_ref[0] = z[:, :HALF]
    o_ref[1] = z[:, HALF:]


def _mlp(agg, norm, W1, b1, W2):
    return pl.pallas_call(
        _mlp_body,
        grid=(N_NODES // RB,),
        in_specs=[pl.BlockSpec((2, RB, HALF), lambda i: (0, i, 0)),
                  pl.BlockSpec((RB, 1), lambda i: (i, 0)),
                  pl.BlockSpec((IN_FEATS, HIDDEN), lambda i: (0, 0)),
                  pl.BlockSpec((1, HIDDEN), lambda i: (0, 0)),
                  pl.BlockSpec((HIDDEN, OUT_FEATS), lambda i: (0, 0))],
        out_specs=pl.BlockSpec((2, RB, HALF), lambda i: (0, i, 0)),
        out_shape=jax.ShapeDtypeStruct((2, N_NODES, HALF), jnp.float32),
    )(agg, norm, W1, b1, W2)


def _finish_body(agg_ref, n_ref, b2_ref, o_ref):
    a = jnp.concatenate([agg_ref[0], agg_ref[1]], axis=1)
    o_ref[...] = a * n_ref[...] + b2_ref[...]


def _finish(agg, norm, b2):
    return pl.pallas_call(
        _finish_body,
        grid=(N_NODES // RB,),
        in_specs=[pl.BlockSpec((2, RB, HALF), lambda i: (0, i, 0)),
                  pl.BlockSpec((RB, 1), lambda i: (i, 0)),
                  pl.BlockSpec((1, OUT_FEATS), lambda i: (0, 0))],
        out_specs=pl.BlockSpec((RB, OUT_FEATS), lambda i: (i, 0)),
        out_shape=jax.ShapeDtypeStruct((N_NODES, OUT_FEATS), jnp.float32),
    )(agg, norm, b2)



def _sc_aggregate(h2, src3, dst2):
    mesh = plsc.VectorSubcoreMesh(core_axis_name="c", subcore_axis_name="s")

    @functools.partial(
        pl.kernel,
        mesh=mesh,
        out_type=jax.ShapeDtypeStruct((2, N_NODES, HALF), jnp.float32),
        scratch_types=[
            pltpu.VMEM((EPT,), jnp.int32),
            pltpu.VMEM((CPT, CHUNK), jnp.int32),
            pltpu.VMEM((CHUNK, HALF), jnp.float32),
            pltpu.VMEM((CHUNK, HALF), jnp.float32),
            pltpu.SemaphoreType.DMA,
            pltpu.SemaphoreType.DMA,
            pltpu.SemaphoreType.DMA,
            pltpu.SemaphoreType.DMA,
            pltpu.VMEM_SHARED((N_NODES, HALF), jnp.float32),
        ],
    )
    def k(h_hbm, src_hbm, dst_hbm, out_hbm, src_v, dst_v, rows0, rows1,
          sem0, sem1, sem2, sem3, acc_sh):
        cid = lax.axis_index("c")
        sid = lax.axis_index("s")

        ia = pltpu.async_copy(src_hbm.at[cid, sid], src_v, sem2)
        ib = pltpu.async_copy(dst_hbm.at[sid], dst_v, sem3)

        @pl.loop(0, CHUNK)
        def _(r):
            @pl.loop(0, HALF, step=16)
            def _(c0):
                rows0[r, pl.ds(c0, 16)] = jnp.zeros((16,), jnp.float32)

        start = sid * ZLEN

        @pl.when(sid < NS - 1)
        def _():
            @pl.loop(0, ZLEN // CHUNK * CHUNK, step=CHUNK)
            def _(r0):
                pltpu.sync_copy(rows0, acc_sh.at[pl.ds(start + r0, CHUNK)])
            pltpu.sync_copy(
                rows0.at[pl.ds(0, ZLEN % CHUNK)],
                acc_sh.at[pl.ds(start + ZLEN // CHUNK * CHUNK, ZLEN % CHUNK)])

        @pl.when(sid == NS - 1)
        def _():
            @pl.loop(0, ZLAST // CHUNK * CHUNK, step=CHUNK)
            def _(r0):
                pltpu.sync_copy(rows0, acc_sh.at[pl.ds(start + r0, CHUNK)])
            pltpu.sync_copy(
                rows0.at[pl.ds(0, ZLAST % CHUNK)],
                acc_sh.at[pl.ds(start + ZLAST // CHUNK * CHUNK,
                                ZLAST % CHUNK)])

        ia.wait()
        ib.wait()

        rows = (rows0, rows1)
        gsem = (sem0, sem1)
        ssem = (sem2, sem3)

        def g_start(c, b):
            pltpu.async_copy(
                h_hbm.at[src_v.at[pl.ds(c * CHUNK, CHUNK)]], rows[b], gsem[b])

        def g_wait(b):
            pltpu.make_async_copy(
                h_hbm.at[src_v.at[pl.ds(0, CHUNK)]], rows[b], gsem[b]).wait()

        def s_start(c, b):
            pltpu.async_copy(
                rows[b], acc_sh.at[dst_v.at[c]], ssem[b], add=True)

        def s_wait(b):
            pltpu.make_async_copy(
                rows[b], acc_sh.at[dst_v.at[0]], ssem[b]).wait()

        g_start(0, 0)
        g_start(1, 1)

        plsc.subcore_barrier()

        @pl.loop(0, CPT - 4, step=2)
        def _(j):
            g_wait(0)
            s_start(j, 0)
            g_wait(1)
            s_start(j + 1, 1)
            s_wait(0)
            g_start(j + 2, 0)
            s_wait(1)
            g_start(j + 3, 1)

        g_wait(0)
        s_start(CPT - 3, 0)
        g_wait(1)
        s_start(CPT - 2, 1)
        s_wait(0)
        g_start(CPT - 1, 0)
        g_wait(0)
        s_start(CPT - 1, 0)
        s_wait(1)
        s_wait(0)

        plsc.subcore_barrier()

        @pl.when(sid < NS - 1)
        def _():
            pltpu.sync_copy(acc_sh.at[pl.ds(start, ZLEN)],
                            out_hbm.at[cid, pl.ds(start, ZLEN)])

        @pl.when(sid == NS - 1)
        def _():
            pltpu.sync_copy(acc_sh.at[pl.ds(start, ZLAST)],
                            out_hbm.at[cid, pl.ds(start, ZLAST)])

    return k(h2, src3, dst2)



def kernel(features, norm, edge_index, W1, b1, W2, b2):
    h, srcs, dsts = _scale_split(features, norm,
                                 edge_index.astype(jnp.int32))
    src3 = srcs.reshape(2, NS, EPT)
    dst2 = dsts.reshape(NS, CPT, CHUNK)
    agg = _sc_aggregate(h.reshape(2 * N_NODES, HALF), src3, dst2)
    z = _mlp(agg, norm, W1, b1.reshape(1, HIDDEN), W2)
    agg2 = _sc_aggregate(z.reshape(2 * N_NODES, HALF), src3, dst2)
    return _finish(agg2, norm, b2.reshape(1, OUT_FEATS))

# --- scband reference (transcript-rebuilt; emitter-appended) ---
"""Pipeline reference for scband-gcn-75488345194725 (READ-ONLY COPY).

The authoritative reference and input builder live on the scoring server;
editing this copy changes nothing except your own understanding.
"""

import jax, jax.numpy as jnp
import numpy as np

N_NODES = 10000
N_EDGES = 160000
IN_FEATS = 256
HIDDEN = 512
OUT_FEATS = 256


def setup_inputs(seed: int = 0) -> dict:
    key = jax.random.key(seed)
    k1, k2, k3, k4, k5, k6, k7 = jax.random.split(key, 7)
    features = jax.random.normal(k1, (N_NODES, IN_FEATS), dtype=jnp.float32)
    norm = jax.random.uniform(k2, (N_NODES, 1), dtype=jnp.float32)
    edge_index = jax.random.randint(k3, (2, N_EDGES), 0, N_NODES, dtype=jnp.int64)
    # Linear params (PyTorch-style: y = x @ W.T + b); store transposed for matmul
    W1 = jax.random.normal(k4, (IN_FEATS, HIDDEN), dtype=jnp.float32) * (1.0 / np.sqrt(IN_FEATS))
    b1 = jax.random.normal(k5, (HIDDEN,), dtype=jnp.float32) * 0.01
    W2 = jax.random.normal(k6, (HIDDEN, OUT_FEATS), dtype=jnp.float32) * (1.0 / np.sqrt(HIDDEN))
    b2 = jax.random.normal(k7, (OUT_FEATS,), dtype=jnp.float32) * 0.01
    return {"features": features, "norm": norm, "edge_index": edge_index,
            "W1": W1, "b1": b1, "W2": W2, "b2": b2}


def _gcn_layer(x, norm, src, dst, W, b):
    # h = feature * norm
    h = x * norm
    # update_all(copy_u('h','m'), sum('m','h')): scatter-add src features into dst
    msgs = jnp.take(h, src, axis=0)
    agg = jax.ops.segment_sum(msgs, dst, num_segments=N_NODES)
    # h = h * norm
    h = agg * norm
    # linear
    return h @ W + b


def reference(features, norm, edge_index, W1, b1, W2, b2):
    src = edge_index[0]
    dst = edge_index[1]
    h = _gcn_layer(features, norm, src, dst, W1, b1)
    h = jax.nn.relu(h)
    out = _gcn_layer(h, norm, src, dst, W2, b2)
    return out

if __name__ == "__main__":
    import jax
    _d = setup_inputs()
    print(jax.jit(kernel)(*tuple(_d.values())))

</pallas_src>

<mosaic_0001>
#map = affine_map<(d0, d1) -> (0, 0)>
#map1 = affine_map<(d0, d1) -> (0, 0, 0)>
module attributes {stable_mosaic.version = 14 : i64} {
  func.func @k(%arg0: i32, %arg1: i32, %arg2: memref<20000x128xf32, #tpu.memory_space<hbm>>, %arg3: memref<2x16x10000xi32, #tpu.memory_space<hbm>>, %arg4: memref<16x125x80xi32, #tpu.memory_space<hbm>>, %arg5: memref<2x10000x128xf32, #tpu.memory_space<hbm>>, %arg6: memref<10000xi32, #tpu.memory_space<vmem>>, %arg7: memref<125x80xi32, #tpu.memory_space<vmem>>, %arg8: memref<80x128xf32, #tpu.memory_space<vmem>>, %arg9: memref<80x128xf32, #tpu.memory_space<vmem>>, %arg10: memref<!tpu.dma_semaphore, #tpu.memory_space<semaphore_mem>>, %arg11: memref<!tpu.dma_semaphore, #tpu.memory_space<semaphore_mem>>, %arg12: memref<!tpu.dma_semaphore, #tpu.memory_space<semaphore_mem>>, %arg13: memref<!tpu.dma_semaphore, #tpu.memory_space<semaphore_mem>>, %arg14: memref<10000x128xf32, #tpu.memory_space<vmem_shared>>) attributes {dimension_semantics = [#tpu.dimension_semantics<core_parallel>, #tpu.dimension_semantics<subcore_parallel>], iteration_bounds = array<i64: 2, 16>, scalar_prefetch = 0 : i64, scratch_operands = 9 : i64, tpu.core_type = #tpu.core_type<sc_vector_subcore>, window_params = [{transform_indices = #map}, {transform_indices = #map1}, {transform_indices = #map1}, {transform_indices = #map1}]} {
    %dma_start3A = arith.constant 0 : i32
    %dma_start3A_0 = tpu.memref_slice %arg3[%arg0, %arg1, %dma_start3A] : memref<2x16x10000xi32, #tpu.memory_space<hbm>> -> memref<1x1x10000xi32, #tpu.memory_space<hbm>>
    %dma_start3A_1 = tpu.memref_squeeze %dma_start3A_0 : memref<1x1x10000xi32, #tpu.memory_space<hbm>> -> memref<10000xi32, #tpu.memory_space<hbm>>
    %dma_start3A_2 = arith.constant 0 : i32
    %dma_start3A_3 = tpu.memref_slice %arg3[%arg0, %arg1, %dma_start3A_2] : memref<2x16x10000xi32, #tpu.memory_space<hbm>> -> memref<1x1x10000xi32, #tpu.memory_space<hbm>>
    %dma_start3A_4 = tpu.memref_squeeze %dma_start3A_3 : memref<1x1x10000xi32, #tpu.memory_space<hbm>> -> memref<10000xi32, #tpu.memory_space<hbm>>
    tpu.enqueue_dma source(%dma_start3A_4 : memref<10000xi32, #tpu.memory_space<hbm>>) target(%arg6 : memref<10000xi32, #tpu.memory_space<vmem>>) target_semaphore(%arg12 : memref<!tpu.dma_semaphore, #tpu.memory_space<semaphore_mem>>)
    %dma_start3A_5 = arith.constant 0 : i32
    %dma_start3A_6 = arith.constant 0 : i32
    %dma_start3A_7 = tpu.memref_slice %arg4[%arg1, %dma_start3A_5, %dma_start3A_6] : memref<16x125x80xi32, #tpu.memory_space<hbm>> -> memref<1x125x80xi32, #tpu.memory_space<hbm>>
    %dma_start3A_8 = tpu.memref_squeeze %dma_start3A_7 : memref<1x125x80xi32, #tpu.memory_space<hbm>> -> memref<125x80xi32, #tpu.memory_space<hbm>>
    %dma_start3A_9 = arith.constant 0 : i32
    %dma_start3A_10 = arith.constant 0 : i32
    %dma_start3A_11 = tpu.memref_slice %arg4[%arg1, %dma_start3A_9, %dma_start3A_10] : memref<16x125x80xi32, #tpu.memory_space<hbm>> -> memref<1x125x80xi32, #tpu.memory_space<hbm>>
    %dma_start3A_12 = tpu.memref_squeeze %dma_start3A_11 : memref<1x125x80xi32, #tpu.memory_space<hbm>> -> memref<125x80xi32, #tpu.memory_space<hbm>>
    tpu.enqueue_dma source(%dma_start3A_12 : memref<125x80xi32, #tpu.memory_space<hbm>>) target(%arg7 : memref<125x80xi32, #tpu.memory_space<vmem>>) target_semaphore(%arg13 : memref<!tpu.dma_semaphore, #tpu.memory_space<semaphore_mem>>)
    %scan3A = arith.constant 0 : i32
    %scan3A_13 = arith.constant 80 : i32
    %scan3A_14 = arith.addi %scan3A, %scan3A_13 : i32
    %scan3A_15 = arith.constant 1 : i32
    scf.for %scan3A_125 = %scan3A to %scan3A_14 step %scan3A_15  : i32 {
      %mul3A_126 = arith.constant 1 : i32
      %mul3A_127 = arith.muli %scan3A_125, %mul3A_126 : i32
      %add3A = arith.constant 0 : i32
      %add3A_128 = arith.addi %add3A, %mul3A_127 : i32
      %scan3A_129 = arith.constant 0 : i32
      %scan3A_130 = arith.constant 8 : i32
      %scan3A_131 = arith.addi %scan3A_129, %scan3A_130 : i32
      %scan3A_132 = arith.constant 1 : i32
      scf.for %scan3A_134 = %scan3A_129 to %scan3A_131 step %scan3A_132  : i32 {
        %mul3A_135 = arith.constant 16 : i32
        %mul3A_136 = arith.muli %scan3A_134, %mul3A_135 : i32
        %add3A_137 = arith.constant 0 : i32
        %add3A_138 = arith.addi %add3A_137, %mul3A_136 : i32
        %broadcast_in_dim3A = arith.constant 0.000000e+00 : f32
        %broadcast_in_dim3A_139 = vector.broadcast %broadcast_in_dim3A : f32 to vector<16xf32>
        %swap3A = arith.index_cast %add3A_128 : i32 to index
        %swap3A_140 = arith.index_cast %add3A_138 : i32 to index
        %swap3A_141 = tpu.vector_load %arg8[%swap3A, %swap3A_140] {strides = array<i32>} : memref<80x128xf32, #tpu.memory_space<vmem>>, vector<1x16xf32>,
        %swap3A_142 = vector.shape_cast %swap3A_141 : vector<1x16xf32> to vector<16xf32>
        %swap3A_143 = vector.shape_cast %broadcast_in_dim3A_139 : vector<16xf32> to vector<1x16xf32>
        tpu.vector_store %arg8[%swap3A, %swap3A_140], %swap3A_143 {strides = array<i32>} : memref<80x128xf32, #tpu.memory_space<vmem>>, vector<1x16xf32>,
      }
      %scan3A_133 = arith.constant 8 : i32
    }
    %scan3A_16 = arith.constant 80 : i32
    %mul3A = arith.constant 632 : i32
    %mul3A_17 = arith.muli %arg1, %mul3A : i32
    %lt3A = arith.constant 15 : i32
    %lt3A_18 = arith.cmpi slt, %arg1, %lt3A : i32
    %convert_element_type3A = arith.extui %lt3A_18 : i1 to i32
    %cond3A = arith.constant 0 : i32
    %cond3A_19 = arith.cmpi ne, %convert_element_type3A, %cond3A : i32
    scf.if %cond3A_19 {
      %scan3A_125 = arith.constant 0 : i32
      %scan3A_126 = arith.constant 7 : i32
      %scan3A_127 = arith.addi %scan3A_125, %scan3A_126 : i32
      %scan3A_128 = arith.constant 1 : i32
      scf.for %scan3A_131 = %scan3A_125 to %scan3A_127 step %scan3A_128  : i32 {
        %mul3A_132 = arith.constant 80 : i32
        %mul3A_133 = arith.muli %scan3A_131, %mul3A_132 : i32
        %add3A_134 = arith.constant 0 : i32
        %add3A_135 = arith.addi %add3A_134, %mul3A_133 : i32
        %add3A_136 = arith.addi %mul3A_17, %add3A_135 : i32
        "tpu.region"() ({
          %run_scoped3A = tpu.sem_alloc : memref<!tpu.dma_semaphore, #tpu.memory_space<semaphore_mem>>
          %dma_start3A_137 = arith.constant 0 : i32
          %dma_start3A_138 = tpu.memref_slice %arg14[%add3A_136, %dma_start3A_137] : memref<10000x128xf32, #tpu.memory_space<vmem_shared>> -> memref<80x128xf32, #tpu.memory_space<vmem_shared>>
          %dma_start3A_139 = arith.constant 0 : i32
          %dma_start3A_140 = tpu.memref_slice %arg14[%add3A_136, %dma_start3A_139] : memref<10000x128xf32, #tpu.memory_space<vmem_shared>> -> memref<80x128xf32, #tpu.memory_space<vmem_shared>>
          tpu.enqueue_dma source(%arg8 : memref<80x128xf32, #tpu.memory_space<vmem>>) target(%dma_start3A_140 : memref<80x128xf32, #tpu.memory_space<vmem_shared>>) target_semaphore(%run_scoped3A : memref<!tpu.dma_semaphore, #tpu.memory_space<semaphore_mem>>)
          %dma_wait3A_141 = arith.constant 0 : i32
          %dma_wait3A_142 = tpu.memref_slice %arg14[%add3A_136, %dma_wait3A_141] : memref<10000x128xf32, #tpu.memory_space<vmem_shared>> -> memref<80x128xf32, #tpu.memory_space<vmem_shared>>
          %dma_wait3A_143 = arith.constant 0 : i32
          %dma_wait3A_144 = tpu.memref_slice %arg14[%add3A_136, %dma_wait3A_143] : memref<10000x128xf32, #tpu.memory_space<vmem_shared>> -> memref<80x128xf32, #tpu.memory_space<vmem_shared>>
          tpu.wait_dma2 semaphore(%run_scoped3A : memref<!tpu.dma_semaphore, #tpu.memory_space<semaphore_mem>>) src(%arg8 : memref<80x128xf32, #tpu.memory_space<vmem>>) dst(%dma_wait3A_144 : memref<80x128xf32, #tpu.memory_space<vmem_shared>>)
          tpu.yield
        }) : () -> ()
      }
      %scan3A_129 = arith.constant 7 : i32
      %add3A = arith.constant 560 : i32
      %add3A_130 = arith.addi %mul3A_17, %add3A : i32
      "tpu.region"() ({
        %run_scoped3A = tpu.sem_alloc : memref<!tpu.dma_semaphore, #tpu.memory_space<semaphore_mem>>
        %dma_start3A_131 = arith.constant 0 : i32
        %dma_start3A_132 = arith.constant 0 : i32
        %dma_start3A_133 = tpu.memref_slice %arg8[%dma_start3A_131, %dma_start3A_132] : memref<80x128xf32, #tpu.memory_space<vmem>> -> memref<72x128xf32, #tpu.memory_space<vmem>>
        %dma_start3A_134 = arith.constant 0 : i32
        %dma_start3A_135 = tpu.memref_slice %arg14[%add3A_130, %dma_start3A_134] : memref<10000x128xf32, #tpu.memory_space<vmem_shared>> -> memref<72x128xf32, #tpu.memory_space<vmem_shared>>
        %dma_start3A_136 = arith.constant 0 : i32
        %dma_start3A_137 = tpu.memref_slice %arg14[%add3A_130, %dma_start3A_136] : memref<10000x128xf32, #tpu.memory_space<vmem_shared>> -> memref<72x128xf32, #tpu.memory_space<vmem_shared>>
        %dma_start3A_138 = arith.constant 0 : i32
        %dma_start3A_139 = arith.constant 0 : i32
        %dma_start3A_140 = tpu.memref_slice %arg8[%dma_start3A_138, %dma_start3A_139] : memref<80x128xf32, #tpu.memory_space<vmem>> -> memref<72x128xf32, #tpu.memory_space<vmem>>
        tpu.enqueue_dma source(%dma_start3A_140 : memref<72x128xf32, #tpu.memory_space<vmem>>) target(%dma_start3A_137 : memref<72x128xf32, #tpu.memory_space<vmem_shared>>) target_semaphore(%run_scoped3A : memref<!tpu.dma_semaphore, #tpu.memory_space<semaphore_mem>>)
        %dma_wait3A_141 = arith.constant 0 : i32
        %dma_wait3A_142 = arith.constant 0 : i32
        %dma_wait3A_143 = tpu.memref_slice %arg8[%dma_wait3A_141, %dma_wait3A_142] : memref<80x128xf32, #tpu.memory_space<vmem>> -> memref<72x128xf32, #tpu.memory_space<vmem>>
        %dma_wait3A_144 = arith.constant 0 : i32
        %dma_wait3A_145 = tpu.memref_slice %arg14[%add3A_130, %dma_wait3A_144] : memref<10000x128xf32, #tpu.memory_space<vmem_shared>> -> memref<72x128xf32, #tpu.memory_space<vmem_shared>>
        %dma_wait3A_146 = arith.constant 0 : i32
        %dma_wait3A_147 = tpu.memref_slice %arg14[%add3A_130, %dma_wait3A_146] : memref<10000x128xf32, #tpu.memory_space<vmem_shared>> -> memref<72x128xf32, #tpu.memory_space<vmem_shared>>
        %dma_wait3A_148 = arith.constant 0 : i32
        %dma_wait3A_149 = arith.constant 0 : i32
        %dma_wait3A_150 = tpu.memref_slice %arg8[%dma_wait3A_148, %dma_wait3A_149] : memref<80x128xf32, #tpu.memory_space<vmem>> -> memref<72x128xf32, #tpu.memory_space<vmem>>
        tpu.wait_dma2 semaphore(%run_scoped3A : memref<!tpu.dma_semaphore, #tpu.memory_space<semaphore_mem>>) src(%dma_wait3A_150 : memref<72x128xf32, #tpu.memory_space<vmem>>) dst(%dma_wait3A_147 : memref<72x128xf32, #tpu.memory_space<vmem_shared>>)
        tpu.yield
      }) : () -> ()
    } else {
    }
    %eq3A = arith.constant 15 : i32
    %eq3A_20 = arith.cmpi eq, %arg1, %eq3A : i32
    %convert_element_type3A_21 = arith.extui %eq3A_20 : i1 to i32
    %cond3A_22 = arith.constant 0 : i32
    %cond3A_23 = arith.cmpi ne, %convert_element_type3A_21, %cond3A_22 : i32
    scf.if %cond3A_23 {
      %scan3A_125 = arith.constant 0 : i32
      %scan3A_126 = arith.constant 6 : i32
      %scan3A_127 = arith.addi %scan3A_125, %scan3A_126 : i32
      %scan3A_128 = arith.constant 1 : i32
      scf.for %scan3A_131 = %scan3A_125 to %scan3A_127 step %scan3A_128  : i32 {
        %mul3A_132 = arith.constant 80 : i32
        %mul3A_133 = arith.muli %scan3A_131, %mul3A_132 : i32
        %add3A_134 = arith.constant 0 : i32
        %add3A_135 = arith.addi %add3A_134, %mul3A_133 : i32
        %add3A_136 = arith.addi %mul3A_17, %add3A_135 : i32
        "tpu.region"() ({
          %run_scoped3A = tpu.sem_alloc : memref<!tpu.dma_semaphore, #tpu.memory_space<semaphore_mem>>
          %dma_start3A_137 = arith.constant 0 : i32
          %dma_start3A_138 = tpu.memref_slice %arg14[%add3A_136, %dma_start3A_137] : memref<10000x128xf32, #tpu.memory_space<vmem_shared>> -> memref<80x128xf32, #tpu.memory_space<vmem_shared>>
          %dma_start3A_139 = arith.constant 0 : i32
          %dma_start3A_140 = tpu.memref_slice %arg14[%add3A_136, %dma_start3A_139] : memref<10000x128xf32, #tpu.memory_space<vmem_shared>> -> memref<80x128xf32, #tpu.memory_space<vmem_shared>>
          tpu.enqueue_dma source(%arg8 : memref<80x128xf32, #tpu.memory_space<vmem>>) target(%dma_start3A_140 : memref<80x128xf32, #tpu.memory_space<vmem_shared>>) target_semaphore(%run_scoped3A : memref<!tpu.dma_semaphore, #tpu.memory_space<semaphore_mem>>)
          %dma_wait3A_141 = arith.constant 0 : i32
          %dma_wait3A_142 = tpu.memref_slice %arg14[%add3A_136, %dma_wait3A_141] : memref<10000x128xf32, #tpu.memory_space<vmem_shared>> -> memref<80x128xf32, #tpu.memory_space<vmem_shared>>
          %dma_wait3A_143 = arith.constant 0 : i32
          %dma_wait3A_144 = tpu.memref_slice %arg14[%add3A_136, %dma_wait3A_143] : memref<10000x128xf32, #tpu.memory_space<vmem_shared>> -> memref<80x128xf32, #tpu.memory_space<vmem_shared>>
          tpu.wait_dma2 semaphore(%run_scoped3A : memref<!tpu.dma_semaphore, #tpu.memory_space<semaphore_mem>>) src(%arg8 : memref<80x128xf32, #tpu.memory_space<vmem>>) dst(%dma_wait3A_144 : memref<80x128xf32, #tpu.memory_space<vmem_shared>>)
          tpu.yield
        }) : () -> ()
      }
      %scan3A_129 = arith.constant 6 : i32
      %add3A = arith.constant 480 : i32
      %add3A_130 = arith.addi %mul3A_17, %add3A : i32
      "tpu.region"() ({
        %run_scoped3A = tpu.sem_alloc : memref<!tpu.dma_semaphore, #tpu.memory_space<semaphore_mem>>
        %dma_start3A_131 = arith.constant 0 : i32
        %dma_start3A_132 = arith.constant 0 : i32
        %dma_start3A_133 = tpu.memref_slice %arg8[%dma_start3A_131, %dma_start3A_132] : memref<80x128xf32, #tpu.memory_space<vmem>> -> memref<40x128xf32, #tpu.memory_space<vmem>>
        %dma_start3A_134 = arith.constant 0 : i32
        %dma_start3A_135 = tpu.memref_slice %arg14[%add3A_130, %dma_start3A_134] : memref<10000x128xf32, #tpu.memory_space<vmem_shared>> -> memref<40x128xf32, #tpu.memory_space<vmem_shared>>
        %dma_start3A_136 = arith.constant 0 : i32
        %dma_start3A_137 = tpu.memref_slice %arg14[%add3A_130, %dma_start3A_136] : memref<10000x128xf32, #tpu.memory_space<vmem_shared>> -> memref<40x128xf32, #tpu.memory_space<vmem_shared>>
        %dma_start3A_138 = arith.constant 0 : i32
        %dma_start3A_139 = arith.constant 0 : i32
        %dma_start3A_140 = tpu.memref_slice %arg8[%dma_start3A_138, %dma_start3A_139] : memref<80x128xf32, #tpu.memory_space<vmem>> -> memref<40x128xf32, #tpu.memory_space<vmem>>
        tpu.enqueue_dma source(%dma_start3A_140 : memref<40x128xf32, #tpu.memory_space<vmem>>) target(%dma_start3A_137 : memref<40x128xf32, #tpu.memory_space<vmem_shared>>) target_semaphore(%run_scoped3A : memref<!tpu.dma_semaphore, #tpu.memory_space<semaphore_mem>>)
        %dma_wait3A_141 = arith.constant 0 : i32
        %dma_wait3A_142 = arith.constant 0 : i32
        %dma_wait3A_143 = tpu.memref_slice %arg8[%dma_wait3A_141, %dma_wait3A_142] : memref<80x128xf32, #tpu.memory_space<vmem>> -> memref<40x128xf32, #tpu.memory_space<vmem>>
        %dma_wait3A_144 = arith.constant 0 : i32
        %dma_wait3A_145 = tpu.memref_slice %arg14[%add3A_130, %dma_wait3A_144] : memref<10000x128xf32, #tpu.memory_space<vmem_shared>> -> memref<40x128xf32, #tpu.memory_space<vmem_shared>>
        %dma_wait3A_146 = arith.constant 0 : i32
        %dma_wait3A_147 = tpu.memref_slice %arg14[%add3A_130, %dma_wait3A_146] : memref<10000x128xf32, #tpu.memory_space<vmem_shared>> -> memref<40x128xf32, #tpu.memory_space<vmem_shared>>
        %dma_wait3A_148 = arith.constant 0 : i32
        %dma_wait3A_149 = arith.constant 0 : i32
        %dma_wait3A_150 = tpu.memref_slice %arg8[%dma_wait3A_148, %dma_wait3A_149] : memref<80x128xf32, #tpu.memory_space<vmem>> -> memref<40x128xf32, #tpu.memory_space<vmem>>
        tpu.wait_dma2 semaphore(%run_scoped3A : memref<!tpu.dma_semaphore, #tpu.memory_space<semaphore_mem>>) src(%dma_wait3A_150 : memref<40x128xf32, #tpu.memory_space<vmem>>) dst(%dma_wait3A_147 : memref<40x128xf32, #tpu.memory_space<vmem_shared>>)
        tpu.yield
      }) : () -> ()
    } else {
    }
    %dma_wait3A = arith.constant 0 : i32
    %dma_wait3A_24 = tpu.memref_slice %arg3[%arg0, %arg1, %dma_wait3A] : memref<2x16x10000xi32, #tpu.memory_space<hbm>> -> memref<1x1x10000xi32, #tpu.memory_space<hbm>>
    %dma_wait3A_25 = tpu.memref_squeeze %dma_wait3A_24 : memref<1x1x10000xi32, #tpu.memory_space<hbm>> -> memref<10000xi32, #tpu.memory_space<hbm>>
    %dma_wait3A_26 = arith.constant 0 : i32
    %dma_wait3A_27 = tpu.memref_slice %arg3[%arg0, %arg1, %dma_wait3A_26] : memref<2x16x10000xi32, #tpu.memory_space<hbm>> -> memref<1x1x10000xi32, #tpu.memory_space<hbm>>
    %dma_wait3A_28 = tpu.memref_squeeze %dma_wait3A_27 : memref<1x1x10000xi32, #tpu.memory_space<hbm>> -> memref<10000xi32, #tpu.memory_space<hbm>>
    tpu.wait_dma2 semaphore(%arg12 : memref<!tpu.dma_semaphore, #tpu.memory_space<semaphore_mem>>) src(%dma_wait3A_28 : memref<10000xi32, #tpu.memory_space<hbm>>) dst(%arg6 : memref<10000xi32, #tpu.memory_space<vmem>>)
    %dma_wait3A_29 = arith.constant 0 : i32
    %dma_wait3A_30 = arith.constant 0 : i32
    %dma_wait3A_31 = tpu.memref_slice %arg4[%arg1, %dma_wait3A_29, %dma_wait3A_30] : memref<16x125x80xi32, #tpu.memory_space<hbm>> -> memref<1x125x80xi32, #tpu.memory_space<hbm>>
    %dma_wait3A_32 = tpu.memref_squeeze %dma_wait3A_31 : memref<1x125x80xi32, #tpu.memory_space<hbm>> -> memref<125x80xi32, #tpu.memory_space<hbm>>
    %dma_wait3A_33 = arith.constant 0 : i32
    %dma_wait3A_34 = arith.constant 0 : i32
    %dma_wait3A_35 = tpu.memref_slice %arg4[%arg1, %dma_wait3A_33, %dma_wait3A_34] : memref<16x125x80xi32, #tpu.memory_space<hbm>> -> memref<1x125x80xi32, #tpu.memory_space<hbm>>
    %dma_wait3A_36 = tpu.memref_squeeze %dma_wait3A_35 : memref<1x125x80xi32, #tpu.memory_space<hbm>> -> memref<125x80xi32, #tpu.memory_space<hbm>>
    tpu.wait_dma2 semaphore(%arg13 : memref<!tpu.dma_semaphore, #tpu.memory_space<semaphore_mem>>) src(%dma_wait3A_36 : memref<125x80xi32, #tpu.memory_space<hbm>>) dst(%arg7 : memref<125x80xi32, #tpu.memory_space<vmem>>)
    %dma_start3A_37 = arith.constant 0 : i32
    %dma_start3A_38 = tpu.memref_slice %arg6[%dma_start3A_37] : memref<10000xi32, #tpu.memory_space<vmem>> -> memref<80xi32, #tpu.memory_space<vmem>>
    %dma_start3A_39 = arith.constant 0 : i32
    %dma_start3A_40 = arith.constant 0 : i32
    %dma_start3A_41 = tpu.memref_slice %arg2[%dma_start3A_39, %dma_start3A_40] : memref<20000x128xf32, #tpu.memory_space<hbm>> -> memref<20000x128xf32, #tpu.memory_space<hbm>>
    tpu.enqueue_indirect_dma source(%dma_start3A_41 : memref<20000x128xf32, #tpu.memory_space<hbm>>) target(%arg8 : memref<80x128xf32, #tpu.memory_space<vmem>>) offsets(%dma_start3A_38 : memref<80xi32, #tpu.memory_space<vmem>>) semaphore(%arg10 : memref<!tpu.dma_semaphore, #tpu.memory_space<semaphore_mem>>)
    %dma_start3A_42 = arith.constant 80 : i32
    %dma_start3A_43 = tpu.memref_slice %arg6[%dma_start3A_42] : memref<10000xi32, #tpu.memory_space<vmem>> -> memref<80xi32, #tpu.memory_space<vmem>>
    %dma_start3A_44 = arith.constant 0 : i32
    %dma_start3A_45 = arith.constant 0 : i32
    %dma_start3A_46 = tpu.memref_slice %arg2[%dma_start3A_44, %dma_start3A_45] : memref<20000x128xf32, #tpu.memory_space<hbm>> -> memref<20000x128xf32, #tpu.memory_space<hbm>>
    tpu.enqueue_indirect_dma source(%dma_start3A_46 : memref<20000x128xf32, #tpu.memory_space<hbm>>) target(%arg9 : memref<80x128xf32, #tpu.memory_space<vmem>>) offsets(%dma_start3A_43 : memref<80xi32, #tpu.memory_space<vmem>>) semaphore(%arg11 : memref<!tpu.dma_semaphore, #tpu.memory_space<semaphore_mem>>)
    %barrier3A = arith.constant 0 : index
    tpu.barrier barrier_id(%barrier3A)
    %scan3A_47 = arith.constant 0 : i32
    %scan3A_48 = arith.constant 61 : i32
    %scan3A_49 = arith.addi %scan3A_47, %scan3A_48 : i32
    %scan3A_50 = arith.constant 1 : i32
    scf.for %scan3A_125 = %scan3A_47 to %scan3A_49 step %scan3A_50  : i32 {
      %mul3A_126 = arith.constant 2 : i32
      %mul3A_127 = arith.muli %scan3A_125, %mul3A_126 : i32
      %add3A = arith.constant 0 : i32
      %add3A_128 = arith.addi %add3A, %mul3A_127 : i32
      %dma_wait3A_129 = arith.constant 0 : i32
      %dma_wait3A_130 = tpu.memref_slice %arg6[%dma_wait3A_129] : memref<10000xi32, #tpu.memory_space<vmem>> -> memref<80xi32, #tpu.memory_space<vmem>>
      %dma_wait3A_131 = arith.constant 0 : i32
      %dma_wait3A_132 = arith.constant 0 : i32
      %dma_wait3A_133 = tpu.memref_slice %arg2[%dma_wait3A_131, %dma_wait3A_132] : memref<20000x128xf32, #tpu.memory_space<hbm>> -> memref<20000x128xf32, #tpu.memory_space<hbm>>
      tpu.wait_indirect_dma semaphore(%arg10 : memref<!tpu.dma_semaphore, #tpu.memory_space<semaphore_mem>>) src(%dma_wait3A_133 : memref<20000x128xf32, #tpu.memory_space<hbm>>) dst(%arg8 : memref<80x128xf32, #tpu.memory_space<vmem>>)
      %dma_start3A_134 = arith.constant 0 : i32
      %dma_start3A_135 = tpu.memref_slice %arg7[%add3A_128, %dma_start3A_134] : memref<125x80xi32, #tpu.memory_space<vmem>> -> memref<1x80xi32, #tpu.memory_space<vmem>>
      %dma_start3A_136 = tpu.memref_squeeze %dma_start3A_135 : memref<1x80xi32, #tpu.memory_space<vmem>> -> memref<80xi32, #tpu.memory_space<vmem>>
      %dma_start3A_137 = arith.constant 0 : i32
      %dma_start3A_138 = arith.constant 0 : i32
      %dma_start3A_139 = tpu.memref_slice %arg14[%dma_start3A_137, %dma_start3A_138] : memref<10000x128xf32, #tpu.memory_space<vmem_shared>> -> memref<10000x128xf32, #tpu.memory_space<vmem_shared>>
      tpu.enqueue_indirect_dma source(%arg8 : memref<80x128xf32, #tpu.memory_space<vmem>>) target(%dma_start3A_139 : memref<10000x128xf32, #tpu.memory_space<vmem_shared>>) offsets(%dma_start3A_136 : memref<80xi32, #tpu.memory_space<vmem>>) semaphore(%arg12 : memref<!tpu.dma_semaphore, #tpu.memory_space<semaphore_mem>>) {add = true}
      %dma_wait3A_140 = arith.constant 0 : i32
      %dma_wait3A_141 = tpu.memref_slice %arg6[%dma_wait3A_140] : memref<10000xi32, #tpu.memory_space<vmem>> -> memref<80xi32, #tpu.memory_space<vmem>>
      %dma_wait3A_142 = arith.constant 0 : i32
      %dma_wait3A_143 = arith.constant 0 : i32
      %dma_wait3A_144 = tpu.memref_slice %arg2[%dma_wait3A_142, %dma_wait3A_143] : memref<20000x128xf32, #tpu.memory_space<hbm>> -> memref<20000x128xf32, #tpu.memory_space<hbm>>
      tpu.wait_indirect_dma semaphore(%arg11 : memref<!tpu.dma_semaphore, #tpu.memory_space<semaphore_mem>>) src(%dma_wait3A_144 : memref<20000x128xf32, #tpu.memory_space<hbm>>) dst(%arg9 : memref<80x128xf32, #tpu.memory_space<vmem>>)
      %add3A_145 = arith.constant 1 : i32
      %add3A_146 = arith.addi %add3A_128, %add3A_145 : i32
      %dma_start3A_147 = arith.constant 0 : i32
      %dma_start3A_148 = tpu.memref_slice %arg7[%add3A_146, %dma_start3A_147] : memref<125x80xi32, #tpu.memory_space<vmem>> -> memref<1x80xi32, #tpu.memory_space<vmem>>
      %dma_start3A_149 = tpu.memref_squeeze %dma_start3A_148 : memref<1x80xi32, #tpu.memory_space<vmem>> -> memref<80xi32, #tpu.memory_space<vmem>>
      %dma_start3A_150 = arith.constant 0 : i32
      %dma_start3A_151 = arith.constant 0 : i32
      %dma_start3A_152 = tpu.memref_slice %arg14[%dma_start3A_150, %dma_start3A_151] : memref<10000x128xf32, #tpu.memory_space<vmem_shared>> -> memref<10000x128xf32, #tpu.memory_space<vmem_shared>>
      tpu.enqueue_indirect_dma source(%arg9 : memref<80x128xf32, #tpu.memory_space<vmem>>) target(%dma_start3A_152 : memref<10000x128xf32, #tpu.memory_space<vmem_shared>>) offsets(%dma_start3A_149 : memref<80xi32, #tpu.memory_space<vmem>>) semaphore(%arg13 : memref<!tpu.dma_semaphore, #tpu.memory_space<semaphore_mem>>) {add = true}
      %dma_wait3A_153 = arith.constant 0 : i32
      %dma_wait3A_154 = arith.constant 0 : i32
      %dma_wait3A_155 = tpu.memref_slice %arg7[%dma_wait3A_153, %dma_wait3A_154] : memref<125x80xi32, #tpu.memory_space<vmem>> -> memref<1x80xi32, #tpu.memory_space<vmem>>
      %dma_wait3A_156 = tpu.memref_squeeze %dma_wait3A_155 : memref<1x80xi32, #tpu.memory_space<vmem>> -> memref<80xi32, #tpu.memory_space<vmem>>
      %dma_wait3A_157 = arith.constant 0 : i32
      %dma_wait3A_158 = arith.constant 0 : i32
      %dma_wait3A_159 = tpu.memref_slice %arg14[%dma_wait3A_157, %dma_wait3A_158] : memref<10000x128xf32, #tpu.memory_space<vmem_shared>> -> memref<10000x128xf32, #tpu.memory_space<vmem_shared>>
      tpu.wait_indirect_dma semaphore(%arg12 : memref<!tpu.dma_semaphore, #tpu.memory_space<semaphore_mem>>) src(%arg8 : memref<80x128xf32, #tpu.memory_space<vmem>>) dst(%dma_wait3A_159 : memref<10000x128xf32, #tpu.memory_space<vmem_shared>>)
      %add3A_160 = arith.constant 2 : i32
      %add3A_161 = arith.addi %add3A_128, %add3A_160 : i32
      %mul3A_162 = arith.constant 80 : i32
      %mul3A_163 = arith.muli %add3A_161, %mul3A_162 : i32
      %dma_start3A_164 = tpu.memref_slice %arg6[%mul3A_163] : memref<10000xi32, #tpu.memory_space<vmem>> -> memref<80xi32, #tpu.memory_space<vmem>>
      %dma_start3A_165 = arith.constant 0 : i32
      %dma_start3A_166 = arith.constant 0 : i32
      %dma_start3A_167 = tpu.memref_slice %arg2[%dma_start3A_165, %dma_start3A_166] : memref<20000x128xf32, #tpu.memory_space<hbm>> -> memref<20000x128xf32, #tpu.memory_space<hbm>>
      tpu.enqueue_indirect_dma source(%dma_start3A_167 : memref<20000x128xf32, #tpu.memory_space<hbm>>) target(%arg8 : memref<80x128xf32, #tpu.memory_space<vmem>>) offsets(%dma_start3A_164 : memref<80xi32, #tpu.memory_space<vmem>>) semaphore(%arg10 : memref<!tpu.dma_semaphore, #tpu.memory_space<semaphore_mem>>)
      %dma_wait3A_168 = arith.constant 0 : i32
      %dma_wait3A_169 = arith.constant 0 : i32
      %dma_wait3A_170 = tpu.memref_slice %arg7[%dma_wait3A_168, %dma_wait3A_169] : memref<125x80xi32, #tpu.memory_space<vmem>> -> memref<1x80xi32, #tpu.memory_space<vmem>>
      %dma_wait3A_171 = tpu.memref_squeeze %dma_wait3A_170 : memref<1x80xi32, #tpu.memory_space<vmem>> -> memref<80xi32, #tpu.memory_space<vmem>>
      %dma_wait3A_172 = arith.constant 0 : i32
      %dma_wait3A_173 = arith.constant 0 : i32
      %dma_wait3A_174 = tpu.memref_slice %arg14[%dma_wait3A_172, %dma_wait3A_173] : memref<10000x128xf32, #tpu.memory_space<vmem_shared>> -> memref<10000x128xf32, #tpu.memory_space<vmem_shared>>
      tpu.wait_indirect_dma semaphore(%arg13 : memref<!tpu.dma_semaphore, #tpu.memory_space<semaphore_mem>>) src(%arg9 : memref<80x128xf32, #tpu.memory_space<vmem>>) dst(%dma_wait3A_174 : memref<10000x128xf32, #tpu.memory_space<vmem_shared>>)
      %add3A_175 = arith.constant 3 : i32
      %add3A_176 = arith.addi %add3A_128, %add3A_175 : i32
      %mul3A_177 = arith.constant 80 : i32
      %mul3A_178 = arith.muli %add3A_176, %mul3A_177 : i32
      %dma_start3A_179 = tpu.memref_slice %arg6[%mul3A_178] : memref<10000xi32, #tpu.memory_space<vmem>> -> memref<80xi32, #tpu.memory_space<vmem>>
      %dma_start3A_180 = arith.constant 0 : i32
      %dma_start3A_181 = arith.constant 0 : i32
      %dma_start3A_182 = tpu.memref_slice %arg2[%dma_start3A_180, %dma_start3A_181] : memref<20000x128xf32, #tpu.memory_space<hbm>> -> memref<20000x128xf32, #tpu.memory_space<hbm>>
      tpu.enqueue_indirect_dma source(%dma_start3A_182 : memref<20000x128xf32, #tpu.memory_space<hbm>>) target(%arg9 : memref<80x128xf32, #tpu.memory_space<vmem>>) offsets(%dma_start3A_179 : memref<80xi32, #tpu.memory_space<vmem>>) semaphore(%arg11 : memref<!tpu.dma_semaphore, #tpu.memory_space<semaphore_mem>>)
    }
    %scan3A_51 = arith.constant 61 : i32
    %dma_wait3A_52 = arith.constant 0 : i32
    %dma_wait3A_53 = tpu.memref_slice %arg6[%dma_wait3A_52] : memref<10000xi32, #tpu.memory_space<vmem>> -> memref<80xi32, #tpu.memory_space<vmem>>
    %dma_wait3A_54 = arith.constant 0 : i32
    %dma_wait3A_55 = arith.constant 0 : i32
    %dma_wait3A_56 = tpu.memref_slice %arg2[%dma_wait3A_54, %dma_wait3A_55] : memref<20000x128xf32, #tpu.memory_space<hbm>> -> memref<20000x128xf32, #tpu.memory_space<hbm>>
    tpu.wait_indirect_dma semaphore(%arg10 : memref<!tpu.dma_semaphore, #tpu.memory_space<semaphore_mem>>) src(%dma_wait3A_56 : memref<20000x128xf32, #tpu.memory_space<hbm>>) dst(%arg8 : memref<80x128xf32, #tpu.memory_space<vmem>>)
    %dma_start3A_57 = arith.constant 122 : i32
    %dma_start3A_58 = arith.constant 0 : i32
    %dma_start3A_59 = tpu.memref_slice %arg7[%dma_start3A_57, %dma_start3A_58] : memref<125x80xi32, #tpu.memory_space<vmem>> -> memref<1x80xi32, #tpu.memory_space<vmem>>
    %dma_start3A_60 = tpu.memref_squeeze %dma_start3A_59 : memref<1x80xi32, #tpu.memory_space<vmem>> -> memref<80xi32, #tpu.memory_space<vmem>>
    %dma_start3A_61 = arith.constant 0 : i32
    %dma_start3A_62 = arith.constant 0 : i32
    %dma_start3A_63 = tpu.memref_slice %arg14[%dma_start3A_61, %dma_start3A_62] : memref<10000x128xf32, #tpu.memory_space<vmem_shared>> -> memref<10000x128xf32, #tpu.memory_space<vmem_shared>>
    tpu.enqueue_indirect_dma source(%arg8 : memref<80x128xf32, #tpu.memory_space<vmem>>) target(%dma_start3A_63 : memref<10000x128xf32, #tpu.memory_space<vmem_shared>>) offsets(%dma_start3A_60 : memref<80xi32, #tpu.memory_space<vmem>>) semaphore(%arg12 : memref<!tpu.dma_semaphore, #tpu.memory_space<semaphore_mem>>) {add = true}
    %dma_wait3A_64 = arith.constant 0 : i32
    %dma_wait3A_65 = tpu.memref_slice %arg6[%dma_wait3A_64] : memref<10000xi32, #tpu.memory_space<vmem>> -> memref<80xi32, #tpu.memory_space<vmem>>
    %dma_wait3A_66 = arith.constant 0 : i32
    %dma_wait3A_67 = arith.constant 0 : i32
    %dma_wait3A_68 = tpu.memref_slice %arg2[%dma_wait3A_66, %dma_wait3A_67] : memref<20000x128xf32, #tpu.memory_space<hbm>> -> memref<20000x128xf32, #tpu.memory_space<hbm>>
    tpu.wait_indirect_dma semaphore(%arg11 : memref<!tpu.dma_semaphore, #tpu.memory_space<semaphore_mem>>) src(%dma_wait3A_68 : memref<20000x128xf32, #tpu.memory_space<hbm>>) dst(%arg9 : memref<80x128xf32, #tpu.memory_space<vmem>>)
    %dma_start3A_69 = arith.constant 123 : i32
    %dma_start3A_70 = arith.constant 0 : i32
    %dma_start3A_71 = tpu.memref_slice %arg7[%dma_start3A_69, %dma_start3A_70] : memref<125x80xi32, #tpu.memory_space<vmem>> -> memref<1x80xi32, #tpu.memory_space<vmem>>
    %dma_start3A_72 = tpu.memref_squeeze %dma_start3A_71 : memref<1x80xi32, #tpu.memory_space<vmem>> -> memref<80xi32, #tpu.memory_space<vmem>>
    %dma_start3A_73 = arith.constant 0 : i32
    %dma_start3A_74 = arith.constant 0 : i32
    %dma_start3A_75 = tpu.memref_slice %arg14[%dma_start3A_73, %dma_start3A_74] : memref<10000x128xf32, #tpu.memory_space<vmem_shared>> -> memref<10000x128xf32, #tpu.memory_space<vmem_shared>>
    tpu.enqueue_indirect_dma source(%arg9 : memref<80x128xf32, #tpu.memory_space<vmem>>) target(%dma_start3A_75 : memref<10000x128xf32, #tpu.memory_space<vmem_shared>>) offsets(%dma_start3A_72 : memref<80xi32, #tpu.memory_space<vmem>>) semaphore(%arg13 : memref<!tpu.dma_semaphore, #tpu.memory_space<semaphore_mem>>) {add = true}
    %dma_wait3A_76 = arith.constant 0 : i32
    %dma_wait3A_77 = arith.constant 0 : i32
    %dma_wait3A_78 = tpu.memref_slice %arg7[%dma_wait3A_76, %dma_wait3A_77] : memref<125x80xi32, #tpu.memory_space<vmem>> -> memref<1x80xi32, #tpu.memory_space<vmem>>
    %dma_wait3A_79 = tpu.memref_squeeze %dma_wait3A_78 : memref<1x80xi32, #tpu.memory_space<vmem>> -> memref<80xi32, #tpu.memory_space<vmem>>
    %dma_wait3A_80 = arith.constant 0 : i32
    %dma_wait3A_81 = arith.constant 0 : i32
    %dma_wait3A_82 = tpu.memref_slice %arg14[%dma_wait3A_80, %dma_wait3A_81] : memref<10000x128xf32, #tpu.memory_space<vmem_shared>> -> memref<10000x128xf32, #tpu.memory_space<vmem_shared>>
    tpu.wait_indirect_dma semaphore(%arg12 : memref<!tpu.dma_semaphore, #tpu.memory_space<semaphore_mem>>) src(%arg8 : memref<80x128xf32, #tpu.memory_space<vmem>>) dst(%dma_wait3A_82 : memref<10000x128xf32, #tpu.memory_space<vmem_shared>>)
    %dma_start3A_83 = arith.constant 9920 : i32
    %dma_start3A_84 = tpu.memref_slice %arg6[%dma_start3A_83] : memref<10000xi32, #tpu.memory_space<vmem>> -> memref<80xi32, #tpu.memory_space<vmem>>
    %dma_start3A_85 = arith.constant 0 : i32
    %dma_start3A_86 = arith.constant 0 : i32
    %dma_start3A_87 = tpu.memref_slice %arg2[%dma_start3A_85, %dma_start3A_86] : memref<20000x128xf32, #tpu.memory_space<hbm>> -> memref<20000x128xf32, #tpu.memory_space<hbm>>
    tpu.enqueue_indirect_dma source(%dma_start3A_87 : memref<20000x128xf32, #tpu.memory_space<hbm>>) target(%arg8 : memref<80x128xf32, #tpu.memory_space<vmem>>) offsets(%dma_start3A_84 : memref<80xi32, #tpu.memory_space<vmem>>) semaphore(%arg10 : memref<!tpu.dma_semaphore, #tpu.memory_space<semaphore_mem>>)
    %dma_wait3A_88 = arith.constant 0 : i32
    %dma_wait3A_89 = tpu.memref_slice %arg6[%dma_wait3A_88] : memref<10000xi32, #tpu.memory_space<vmem>> -> memref<80xi32, #tpu.memory_space<vmem>>
    %dma_wait3A_90 = arith.constant 0 : i32
    %dma_wait3A_91 = arith.constant 0 : i32
    %dma_wait3A_92 = tpu.memref_slice %arg2[%dma_wait3A_90, %dma_wait3A_91] : memref<20000x128xf32, #tpu.memory_space<hbm>> -> memref<20000x128xf32, #tpu.memory_space<hbm>>
    tpu.wait_indirect_dma semaphore(%arg10 : memref<!tpu.dma_semaphore, #tpu.memory_space<semaphore_mem>>) src(%dma_wait3A_92 : memref<20000x128xf32, #tpu.memory_space<hbm>>) dst(%arg8 : memref<80x128xf32, #tpu.memory_space<vmem>>)
    %dma_start3A_93 = arith.constant 124 : i32
    %dma_start3A_94 = arith.constant 0 : i32
    %dma_start3A_95 = tpu.memref_slice %arg7[%dma_start3A_93, %dma_start3A_94] : memref<125x80xi32, #tpu.memory_space<vmem>> -> memref<1x80xi32, #tpu.memory_space<vmem>>
    %dma_start3A_96 = tpu.memref_squeeze %dma_start3A_95 : memref<1x80xi32, #tpu.memory_space<vmem>> -> memref<80xi32, #tpu.memory_space<vmem>>
    %dma_start3A_97 = arith.constant 0 : i32
    %dma_start3A_98 = arith.constant 0 : i32
    %dma_start3A_99 = tpu.memref_slice %arg14[%dma_start3A_97, %dma_start3A_98] : memref<10000x128xf32, #tpu.memory_space<vmem_shared>> -> memref<10000x128xf32, #tpu.memory_space<vmem_shared>>
    tpu.enqueue_indirect_dma source(%arg8 : memref<80x128xf32, #tpu.memory_space<vmem>>) target(%dma_start3A_99 : memref<10000x128xf32, #tpu.memory_space<vmem_shared>>) offsets(%dma_start3A_96 : memref<80xi32, #tpu.memory_space<vmem>>) semaphore(%arg12 : memref<!tpu.dma_semaphore, #tpu.memory_space<semaphore_mem>>) {add = true}
    %dma_wait3A_100 = arith.constant 0 : i32
    %dma_wait3A_101 = arith.constant 0 : i32
    %dma_wait3A_102 = tpu.memref_slice %arg7[%dma_wait3A_100, %dma_wait3A_101] : memref<125x80xi32, #tpu.memory_space<vmem>> -> memref<1x80xi32, #tpu.memory_space<vmem>>
    %dma_wait3A_103 = tpu.memref_squeeze %dma_wait3A_102 : memref<1x80xi32, #tpu.memory_space<vmem>> -> memref<80xi32, #tpu.memory_space<vmem>>
    %dma_wait3A_104 = arith.constant 0 : i32
    %dma_wait3A_105 = arith.constant 0 : i32
    %dma_wait3A_106 = tpu.memref_slice %arg14[%dma_wait3A_104, %dma_wait3A_105] : memref<10000x128xf32, #tpu.memory_space<vmem_shared>> -> memref<10000x128xf32, #tpu.memory_space<vmem_shared>>
    tpu.wait_indirect_dma semaphore(%arg13 : memref<!tpu.dma_semaphore, #tpu.memory_space<semaphore_mem>>) src(%arg9 : memref<80x128xf32, #tpu.memory_space<vmem>>) dst(%dma_wait3A_106 : memref<10000x128xf32, #tpu.memory_space<vmem_shared>>)
    %dma_wait3A_107 = arith.constant 0 : i32
    %dma_wait3A_108 = arith.constant 0 : i32
    %dma_wait3A_109 = tpu.memref_slice %arg7[%dma_wait3A_107, %dma_wait3A_108] : memref<125x80xi32, #tpu.memory_space<vmem>> -> memref<1x80xi32, #tpu.memory_space<vmem>>
    %dma_wait3A_110 = tpu.memref_squeeze %dma_wait3A_109 : memref<1x80xi32, #tpu.memory_space<vmem>> -> memref<80xi32, #tpu.memory_space<vmem>>
    %dma_wait3A_111 = arith.constant 0 : i32
    %dma_wait3A_112 = arith.constant 0 : i32
    %dma_wait3A_113 = tpu.memref_slice %arg14[%dma_wait3A_111, %dma_wait3A_112] : memref<10000x128xf32, #tpu.memory_space<vmem_shared>> -> memref<10000x128xf32, #tpu.memory_space<vmem_shared>>
    tpu.wait_indirect_dma semaphore(%arg12 : memref<!tpu.dma_semaphore, #tpu.memory_space<semaphore_mem>>) src(%arg8 : memref<80x128xf32, #tpu.memory_space<vmem>>) dst(%dma_wait3A_113 : memref<10000x128xf32, #tpu.memory_space<vmem_shared>>)
    %barrier3A_114 = arith.constant 0 : index
    tpu.barrier barrier_id(%barrier3A_114)
    %lt3A_115 = arith.constant 15 : i32
    %lt3A_116 = arith.cmpi slt, %arg1, %lt3A_115 : i32
    %convert_element_type3A_117 = arith.extui %lt3A_116 : i1 to i32
    %cond3A_118 = arith.constant 0 : i32
    %cond3A_119 = arith.cmpi ne, %convert_element_type3A_117, %cond3A_118 : i32
    scf.if %cond3A_119 {
      "tpu.region"() ({
        %run_scoped3A = tpu.sem_alloc : memref<!tpu.dma_semaphore, #tpu.memory_space<semaphore_mem>>
        %dma_start3A_125 = arith.constant 0 : i32
        %dma_start3A_126 = tpu.memref_slice %arg5[%arg0, %mul3A_17, %dma_start3A_125] : memref<2x10000x128xf32, #tpu.memory_space<hbm>> -> memref<1x632x128xf32, #tpu.memory_space<hbm>>
        %dma_start3A_127 = tpu.memref_squeeze %dma_start3A_126 : memref<1x632x128xf32, #tpu.memory_space<hbm>> -> memref<632x128xf32, #tpu.memory_space<hbm>>
        %dma_start3A_128 = arith.constant 0 : i32
        %dma_start3A_129 = tpu.memref_slice %arg14[%mul3A_17, %dma_start3A_128] : memref<10000x128xf32, #tpu.memory_space<vmem_shared>> -> memref<632x128xf32, #tpu.memory_space<vmem_shared>>
        tpu.enqueue_dma source(%dma_start3A_129 : memref<632x128xf32, #tpu.memory_space<vmem_shared>>) target(%dma_start3A_127 : memref<632x128xf32, #tpu.memory_space<hbm>>) target_semaphore(%run_scoped3A : memref<!tpu.dma_semaphore, #tpu.memory_space<semaphore_mem>>)
        %dma_wait3A_130 = arith.constant 0 : i32
        %dma_wait3A_131 = tpu.memref_slice %arg5[%arg0, %mul3A_17, %dma_wait3A_130] : memref<2x10000x128xf32, #tpu.memory_space<hbm>> -> memref<1x632x128xf32, #tpu.memory_space<hbm>>
        %dma_wait3A_132 = tpu.memref_squeeze %dma_wait3A_131 : memref<1x632x128xf32, #tpu.memory_space<hbm>> -> memref<632x128xf32, #tpu.memory_space<hbm>>
        %dma_wait3A_133 = arith.constant 0 : i32
        %dma_wait3A_134 = tpu.memref_slice %arg14[%mul3A_17, %dma_wait3A_133] : memref<10000x128xf32, #tpu.memory_space<vmem_shared>> -> memref<632x128xf32, #tpu.memory_space<vmem_shared>>
        tpu.wait_dma2 semaphore(%run_scoped3A : memref<!tpu.dma_semaphore, #tpu.memory_space<semaphore_mem>>) src(%dma_wait3A_134 : memref<632x128xf32, #tpu.memory_space<vmem_shared>>) dst(%dma_wait3A_132 : memref<632x128xf32, #tpu.memory_space<hbm>>)
        tpu.yield
      }) : () -> ()
    } else {
    }
    %eq3A_120 = arith.constant 15 : i32
    %eq3A_121 = arith.cmpi eq, %arg1, %eq3A_120 : i32
    %convert_element_type3A_122 = arith.extui %eq3A_121 : i1 to i32
    %cond3A_123 = arith.constant 0 : i32
    %cond3A_124 = arith.cmpi ne, %convert_element_type3A_122, %cond3A_123 : i32
    scf.if %cond3A_124 {
      "tpu.region"() ({
        %run_scoped3A = tpu.sem_alloc : memref<!tpu.dma_semaphore, #tpu.memory_space<semaphore_mem>>
        %dma_start3A_125 = arith.constant 0 : i32
        %dma_start3A_126 = tpu.memref_slice %arg5[%arg0, %mul3A_17, %dma_start3A_125] : memref<2x10000x128xf32, #tpu.memory_space<hbm>> -> memref<1x520x128xf32, #tpu.memory_space<hbm>>
        %dma_start3A_127 = tpu.memref_squeeze %dma_start3A_126 : memref<1x520x128xf32, #tpu.memory_space<hbm>> -> memref<520x128xf32, #tpu.memory_space<hbm>>
        %dma_start3A_128 = arith.constant 0 : i32
        %dma_start3A_129 = tpu.memref_slice %arg14[%mul3A_17, %dma_start3A_128] : memref<10000x128xf32, #tpu.memory_space<vmem_shared>> -> memref<520x128xf32, #tpu.memory_space<vmem_shared>>
        tpu.enqueue_dma source(%dma_start3A_129 : memref<520x128xf32, #tpu.memory_space<vmem_shared>>) target(%dma_start3A_127 : memref<520x128xf32, #tpu.memory_space<hbm>>) target_semaphore(%run_scoped3A : memref<!tpu.dma_semaphore, #tpu.memory_space<semaphore_mem>>)
        %dma_wait3A_130 = arith.constant 0 : i32
        %dma_wait3A_131 = tpu.memref_slice %arg5[%arg0, %mul3A_17, %dma_wait3A_130] : memref<2x10000x128xf32, #tpu.memory_space<hbm>> -> memref<1x520x128xf32, #tpu.memory_space<hbm>>
        %dma_wait3A_132 = tpu.memref_squeeze %dma_wait3A_131 : memref<1x520x128xf32, #tpu.memory_space<hbm>> -> memref<520x128xf32, #tpu.memory_space<hbm>>
        %dma_wait3A_133 = arith.constant 0 : i32
        %dma_wait3A_134 = tpu.memref_slice %arg14[%mul3A_17, %dma_wait3A_133] : memref<10000x128xf32, #tpu.memory_space<vmem_shared>> -> memref<520x128xf32, #tpu.memory_space<vmem_shared>>
        tpu.wait_dma2 semaphore(%run_scoped3A : memref<!tpu.dma_semaphore, #tpu.memory_space<semaphore_mem>>) src(%dma_wait3A_134 : memref<520x128xf32, #tpu.memory_space<vmem_shared>>) dst(%dma_wait3A_132 : memref<520x128xf32, #tpu.memory_space<hbm>>)
        tpu.yield
      }) : () -> ()
    } else {
    }
    return
  }
}

#map = affine_map<(d0, d1) -> (0, 0)>
#map1 = affine_map<(d0, d1) -> (0, 0, 0)>
module attributes {stable_mosaic.version = 14 : i64} {
  func.func @k(%arg0: i32, %arg1: i32, %arg2: memref<20000x128xf32, #tpu.memory_space<hbm>>, %arg3: memref<2x16x10000xi32, #tpu.memory_space<hbm>>, %arg4: memref<16x125x80xi32, #tpu.memory_space<hbm>>, %arg5: memref<2x10000x128xf32, #tpu.memory_space<hbm>>, %arg6: memref<10000xi32, #tpu.memory_space<vmem>>, %arg7: memref<125x80xi32, #tpu.memory_space<vmem>>, %arg8: memref<80x128xf32, #tpu.memory_space<vmem>>, %arg9: memref<80x128xf32, #tpu.memory_space<vmem>>, %arg10: memref<!tpu.dma_semaphore, #tpu.memory_space<semaphore_mem>>, %arg11: memref<!tpu.dma_semaphore, #tpu.memory_space<semaphore_mem>>, %arg12: memref<!tpu.dma_semaphore, #tpu.memory_space<semaphore_mem>>, %arg13: memref<!tpu.dma_semaphore, #tpu.memory_space<semaphore_mem>>, %arg14: memref<10000x128xf32, #tpu.memory_space<vmem_shared>>) attributes {dimension_semantics = [#tpu.dimension_semantics<core_parallel>, #tpu.dimension_semantics<subcore_parallel>], iteration_bounds = array<i64: 2, 16>, scalar_prefetch = 0 : i64, scratch_operands = 9 : i64, tpu.core_type = #tpu.core_type<sc_vector_subcore>, window_params = [{transform_indices = #map}, {transform_indices = #map1}, {transform_indices = #map1}, {transform_indices = #map1}]} {
    %dma_start3A = arith.constant 0 : i32
    %dma_start3A_0 = tpu.memref_slice %arg3[%arg0, %arg1, %dma_start3A] : memref<2x16x10000xi32, #tpu.memory_space<hbm>> -> memref<1x1x10000xi32, #tpu.memory_space<hbm>>
    %dma_start3A_1 = tpu.memref_squeeze %dma_start3A_0 : memref<1x1x10000xi32, #tpu.memory_space<hbm>> -> memref<10000xi32, #tpu.memory_space<hbm>>
    %dma_start3A_2 = arith.constant 0 : i32
    %dma_start3A_3 = tpu.memref_slice %arg3[%arg0, %arg1, %dma_start3A_2] : memref<2x16x10000xi32, #tpu.memory_space<hbm>> -> memref<1x1x10000xi32, #tpu.memory_space<hbm>>
    %dma_start3A_4 = tpu.memref_squeeze %dma_start3A_3 : memref<1x1x10000xi32, #tpu.memory_space<hbm>> -> memref<10000xi32, #tpu.memory_space<hbm>>
    tpu.enqueue_dma source(%dma_start3A_4 : memref<10000xi32, #tpu.memory_space<hbm>>) target(%arg6 : memref<10000xi32, #tpu.memory_space<vmem>>) target_semaphore(%arg12 : memref<!tpu.dma_semaphore, #tpu.memory_space<semaphore_mem>>)
    %dma_start3A_5 = arith.constant 0 : i32
    %dma_start3A_6 = arith.constant 0 : i32
    %dma_start3A_7 = tpu.memref_slice %arg4[%arg1, %dma_start3A_5, %dma_start3A_6] : memref<16x125x80xi32, #tpu.memory_space<hbm>> -> memref<1x125x80xi32, #tpu.memory_space<hbm>>
    %dma_start3A_8 = tpu.memref_squeeze %dma_start3A_7 : memref<1x125x80xi32, #tpu.memory_space<hbm>> -> memref<125x80xi32, #tpu.memory_space<hbm>>
    %dma_start3A_9 = arith.constant 0 : i32
    %dma_start3A_10 = arith.constant 0 : i32
    %dma_start3A_11 = tpu.memref_slice %arg4[%arg1, %dma_start3A_9, %dma_start3A_10] : memref<16x125x80xi32, #tpu.memory_space<hbm>> -> memref<1x125x80xi32, #tpu.memory_space<hbm>>
    %dma_start3A_12 = tpu.memref_squeeze %dma_start3A_11 : memref<1x125x80xi32, #tpu.memory_space<hbm>> -> memref<125x80xi32, #tpu.memory_space<hbm>>
    tpu.enqueue_dma source(%dma_start3A_12 : memref<125x80xi32, #tpu.memory_space<hbm>>) target(%arg7 : memref<125x80xi32, #tpu.memory_space<vmem>>) target_semaphore(%arg13 : memref<!tpu.dma_semaphore, #tpu.memory_space<semaphore_mem>>)
    %scan3A = arith.constant 0 : i32
    %scan3A_13 = arith.constant 80 : i32
    %scan3A_14 = arith.addi %scan3A, %scan3A_13 : i32
    %scan3A_15 = arith.constant 1 : i32
    scf.for %scan3A_125 = %scan3A to %scan3A_14 step %scan3A_15  : i32 {
      %mul3A_126 = arith.constant 1 : i32
      %mul3A_127 = arith.muli %scan3A_125, %mul3A_126 : i32
      %add3A = arith.constant 0 : i32
      %add3A_128 = arith.addi %add3A, %mul3A_127 : i32
      %scan3A_129 = arith.constant 0 : i32
      %scan3A_130 = arith.constant 8 : i32
      %scan3A_131 = arith.addi %scan3A_129, %scan3A_130 : i32
      %scan3A_132 = arith.constant 1 : i32
      scf.for %scan3A_134 = %scan3A_129 to %scan3A_131 step %scan3A_132  : i32 {
        %mul3A_135 = arith.constant 16 : i32
        %mul3A_136 = arith.muli %scan3A_134, %mul3A_135 : i32
        %add3A_137 = arith.constant 0 : i32
        %add3A_138 = arith.addi %add3A_137, %mul3A_136 : i32
        %broadcast_in_dim3A = arith.constant 0.000000e+00 : f32
        %broadcast_in_dim3A_139 = vector.broadcast %broadcast_in_dim3A : f32 to vector<16xf32>
        %swap3A = arith.index_cast %add3A_128 : i32 to index
        %swap3A_140 = arith.index_cast %add3A_138 : i32 to index
        %swap3A_141 = tpu.vector_load %arg8[%swap3A, %swap3A_140] {strides = array<i32>} : memref<80x128xf32, #tpu.memory_space<vmem>>, vector<1x16xf32>,
        %swap3A_142 = vector.shape_cast %swap3A_141 : vector<1x16xf32> to vector<16xf32>
        %swap3A_143 = vector.shape_cast %broadcast_in_dim3A_139 : vector<16xf32> to vector<1x16xf32>
        tpu.vector_store %arg8[%swap3A, %swap3A_140], %swap3A_143 {strides = array<i32>} : memref<80x128xf32, #tpu.memory_space<vmem>>, vector<1x16xf32>,
      }
      %scan3A_133 = arith.constant 8 : i32
    }
    %scan3A_16 = arith.constant 80 : i32
    %mul3A = arith.constant 632 : i32
    %mul3A_17 = arith.muli %arg1, %mul3A : i32
    %lt3A = arith.constant 15 : i32
    %lt3A_18 = arith.cmpi slt, %arg1, %lt3A : i32
    %convert_element_type3A = arith.extui %lt3A_18 : i1 to i32
    %cond3A = arith.constant 0 : i32
    %cond3A_19 = arith.cmpi ne, %convert_element_type3A, %cond3A : i32
    scf.if %cond3A_19 {
      %scan3A_125 = arith.constant 0 : i32
      %scan3A_126 = arith.constant 7 : i32
      %scan3A_127 = arith.addi %scan3A_125, %scan3A_126 : i32
      %scan3A_128 = arith.constant 1 : i32
      scf.for %scan3A_131 = %scan3A_125 to %scan3A_127 step %scan3A_128  : i32 {
        %mul3A_132 = arith.constant 80 : i32
        %mul3A_133 = arith.muli %scan3A_131, %mul3A_132 : i32
        %add3A_134 = arith.constant 0 : i32
        %add3A_135 = arith.addi %add3A_134, %mul3A_133 : i32
        %add3A_136 = arith.addi %mul3A_17, %add3A_135 : i32
        "tpu.region"() ({
          %run_scoped3A = tpu.sem_alloc : memref<!tpu.dma_semaphore, #tpu.memory_space<semaphore_mem>>
          %dma_start3A_137 = arith.constant 0 : i32
          %dma_start3A_138 = tpu.memref_slice %arg14[%add3A_136, %dma_start3A_137] : memref<10000x128xf32, #tpu.memory_space<vmem_shared>> -> memref<80x128xf32, #tpu.memory_space<vmem_shared>>
          %dma_start3A_139 = arith.constant 0 : i32
          %dma_start3A_140 = tpu.memref_slice %arg14[%add3A_136, %dma_start3A_139] : memref<10000x128xf32, #tpu.memory_space<vmem_shared>> -> memref<80x128xf32, #tpu.memory_space<vmem_shared>>
          tpu.enqueue_dma source(%arg8 : memref<80x128xf32, #tpu.memory_space<vmem>>) target(%dma_start3A_140 : memref<80x128xf32, #tpu.memory_space<vmem_shared>>) target_semaphore(%run_scoped3A : memref<!tpu.dma_semaphore, #tpu.memory_space<semaphore_mem>>)
          %dma_wait3A_141 = arith.constant 0 : i32
          %dma_wait3A_142 = tpu.memref_slice %arg14[%add3A_136, %dma_wait3A_141] : memref<10000x128xf32, #tpu.memory_space<vmem_shared>> -> memref<80x128xf32, #tpu.memory_space<vmem_shared>>
          %dma_wait3A_143 = arith.constant 0 : i32
          %dma_wait3A_144 = tpu.memref_slice %arg14[%add3A_136, %dma_wait3A_143] : memref<10000x128xf32, #tpu.memory_space<vmem_shared>> -> memref<80x128xf32, #tpu.memory_space<vmem_shared>>
          tpu.wait_dma2 semaphore(%run_scoped3A : memref<!tpu.dma_semaphore, #tpu.memory_space<semaphore_mem>>) src(%arg8 : memref<80x128xf32, #tpu.memory_space<vmem>>) dst(%dma_wait3A_144 : memref<80x128xf32, #tpu.memory_space<vmem_shared>>)
          tpu.yield
        }) : () -> ()
      }
      %scan3A_129 = arith.constant 7 : i32
      %add3A = arith.constant 560 : i32
      %add3A_130 = arith.addi %mul3A_17, %add3A : i32
      "tpu.region"() ({
        %run_scoped3A = tpu.sem_alloc : memref<!tpu.dma_semaphore, #tpu.memory_space<semaphore_mem>>
        %dma_start3A_131 = arith.constant 0 : i32
        %dma_start3A_132 = arith.constant 0 : i32
        %dma_start3A_133 = tpu.memref_slice %arg8[%dma_start3A_131, %dma_start3A_132] : memref<80x128xf32, #tpu.memory_space<vmem>> -> memref<72x128xf32, #tpu.memory_space<vmem>>
        %dma_start3A_134 = arith.constant 0 : i32
        %dma_start3A_135 = tpu.memref_slice %arg14[%add3A_130, %dma_start3A_134] : memref<10000x128xf32, #tpu.memory_space<vmem_shared>> -> memref<72x128xf32, #tpu.memory_space<vmem_shared>>
        %dma_start3A_136 = arith.constant 0 : i32
        %dma_start3A_137 = tpu.memref_slice %arg14[%add3A_130, %dma_start3A_136] : memref<10000x128xf32, #tpu.memory_space<vmem_shared>> -> memref<72x128xf32, #tpu.memory_space<vmem_shared>>
        %dma_start3A_138 = arith.constant 0 : i32
        %dma_start3A_139 = arith.constant 0 : i32
        %dma_start3A_140 = tpu.memref_slice %arg8[%dma_start3A_138, %dma_start3A_139] : memref<80x128xf32, #tpu.memory_space<vmem>> -> memref<72x128xf32, #tpu.memory_space<vmem>>
        tpu.enqueue_dma source(%dma_start3A_140 : memref<72x128xf32, #tpu.memory_space<vmem>>) target(%dma_start3A_137 : memref<72x128xf32, #tpu.memory_space<vmem_shared>>) target_semaphore(%run_scoped3A : memref<!tpu.dma_semaphore, #tpu.memory_space<semaphore_mem>>)
        %dma_wait3A_141 = arith.constant 0 : i32
        %dma_wait3A_142 = arith.constant 0 : i32
        %dma_wait3A_143 = tpu.memref_slice %arg8[%dma_wait3A_141, %dma_wait3A_142] : memref<80x128xf32, #tpu.memory_space<vmem>> -> memref<72x128xf32, #tpu.memory_space<vmem>>
        %dma_wait3A_144 = arith.constant 0 : i32
        %dma_wait3A_145 = tpu.memref_slice %arg14[%add3A_130, %dma_wait3A_144] : memref<10000x128xf32, #tpu.memory_space<vmem_shared>> -> memref<72x128xf32, #tpu.memory_space<vmem_shared>>
        %dma_wait3A_146 = arith.constant 0 : i32
        %dma_wait3A_147 = tpu.memref_slice %arg14[%add3A_130, %dma_wait3A_146] : memref<10000x128xf32, #tpu.memory_space<vmem_shared>> -> memref<72x128xf32, #tpu.memory_space<vmem_shared>>
        %dma_wait3A_148 = arith.constant 0 : i32
        %dma_wait3A_149 = arith.constant 0 : i32
        %dma_wait3A_150 = tpu.memref_slice %arg8[%dma_wait3A_148, %dma_wait3A_149] : memref<80x128xf32, #tpu.memory_space<vmem>> -> memref<72x128xf32, #tpu.memory_space<vmem>>
        tpu.wait_dma2 semaphore(%run_scoped3A : memref<!tpu.dma_semaphore, #tpu.memory_space<semaphore_mem>>) src(%dma_wait3A_150 : memref<72x128xf32, #tpu.memory_space<vmem>>) dst(%dma_wait3A_147 : memref<72x128xf32, #tpu.memory_space<vmem_shared>>)
        tpu.yield
      }) : () -> ()
    } else {
    }
    %eq3A = arith.constant 15 : i32
    %eq3A_20 = arith.cmpi eq, %arg1, %eq3A : i32
    %convert_element_type3A_21 = arith.extui %eq3A_20 : i1 to i32
    %cond3A_22 = arith.constant 0 : i32
    %cond3A_23 = arith.cmpi ne, %convert_element_type3A_21, %cond3A_22 : i32
    scf.if %cond3A_23 {
      %scan3A_125 = arith.constant 0 : i32
      %scan3A_126 = arith.constant 6 : i32
      %scan3A_127 = arith.addi %scan3A_125, %scan3A_126 : i32
      %scan3A_128 = arith.constant 1 : i32
      scf.for %scan3A_131 = %scan3A_125 to %scan3A_127 step %scan3A_128  : i32 {
        %mul3A_132 = arith.constant 80 : i32
        %mul3A_133 = arith.muli %scan3A_131, %mul3A_132 : i32
        %add3A_134 = arith.constant 0 : i32
        %add3A_135 = arith.addi %add3A_134, %mul3A_133 : i32
        %add3A_136 = arith.addi %mul3A_17, %add3A_135 : i32
        "tpu.region"() ({
          %run_scoped3A = tpu.sem_alloc : memref<!tpu.dma_semaphore, #tpu.memory_space<semaphore_mem>>
          %dma_start3A_137 = arith.constant 0 : i32
          %dma_start3A_138 = tpu.memref_slice %arg14[%add3A_136, %dma_start3A_137] : memref<10000x128xf32, #tpu.memory_space<vmem_shared>> -> memref<80x128xf32, #tpu.memory_space<vmem_shared>>
          %dma_start3A_139 = arith.constant 0 : i32
          %dma_start3A_140 = tpu.memref_slice %arg14[%add3A_136, %dma_start3A_139] : memref<10000x128xf32, #tpu.memory_space<vmem_shared>> -> memref<80x128xf32, #tpu.memory_space<vmem_shared>>
          tpu.enqueue_dma source(%arg8 : memref<80x128xf32, #tpu.memory_space<vmem>>) target(%dma_start3A_140 : memref<80x128xf32, #tpu.memory_space<vmem_shared>>) target_semaphore(%run_scoped3A : memref<!tpu.dma_semaphore, #tpu.memory_space<semaphore_mem>>)
          %dma_wait3A_141 = arith.constant 0 : i32
          %dma_wait3A_142 = tpu.memref_slice %arg14[%add3A_136, %dma_wait3A_141] : memref<10000x128xf32, #tpu.memory_space<vmem_shared>> -> memref<80x128xf32, #tpu.memory_space<vmem_shared>>
          %dma_wait3A_143 = arith.constant 0 : i32
          %dma_wait3A_144 = tpu.memref_slice %arg14[%add3A_136, %dma_wait3A_143] : memref<10000x128xf32, #tpu.memory_space<vmem_shared>> -> memref<80x128xf32, #tpu.memory_space<vmem_shared>>
          tpu.wait_dma2 semaphore(%run_scoped3A : memref<!tpu.dma_semaphore, #tpu.memory_space<semaphore_mem>>) src(%arg8 : memref<80x128xf32, #tpu.memory_space<vmem>>) dst(%dma_wait3A_144 : memref<80x128xf32, #tpu.memory_space<vmem_shared>>)
          tpu.yield
        }) : () -> ()
      }
      %scan3A_129 = arith.constant 6 : i32
      %add3A = arith.constant 480 : i32
      %add3A_130 = arith.addi %mul3A_17, %add3A : i32
      "tpu.region"() ({
        %run_scoped3A = tpu.sem_alloc : memref<!tpu.dma_semaphore, #tpu.memory_space<semaphore_mem>>
        %dma_start3A_131 = arith.constant 0 : i32
        %dma_start3A_132 = arith.constant 0 : i32
        %dma_start3A_133 = tpu.memref_slice %arg8[%dma_start3A_131, %dma_start3A_132] : memref<80x128xf32, #tpu.memory_space<vmem>> -> memref<40x128xf32, #tpu.memory_space<vmem>>
        %dma_start3A_134 = arith.constant 0 : i32
        %dma_start3A_135 = tpu.memref_slice %arg14[%add3A_130, %dma_start3A_134] : memref<10000x128xf32, #tpu.memory_space<vmem_shared>> -> memref<40x128xf32, #tpu.memory_space<vmem_shared>>
        %dma_start3A_136 = arith.constant 0 : i32
        %dma_start3A_137 = tpu.memref_slice %arg14[%add3A_130, %dma_start3A_136] : memref<10000x128xf32, #tpu.memory_space<vmem_shared>> -> memref<40x128xf32, #tpu.memory_space<vmem_shared>>
        %dma_start3A_138 = arith.constant 0 : i32
        %dma_start3A_139 = arith.constant 0 : i32
        %dma_start3A_140 = tpu.memref_slice %arg8[%dma_start3A_138, %dma_start3A_139] : memref<80x128xf32, #tpu.memory_space<vmem>> -> memref<40x128xf32, #tpu.memory_space<vmem>>
        tpu.enqueue_dma source(%dma_start3A_140 : memref<40x128xf32, #tpu.memory_space<vmem>>) target(%dma_start3A_137 : memref<40x128xf32, #tpu.memory_space<vmem_shared>>) target_semaphore(%run_scoped3A : memref<!tpu.dma_semaphore, #tpu.memory_space<semaphore_mem>>)
        %dma_wait3A_141 = arith.constant 0 : i32
        %dma_wait3A_142 = arith.constant 0 : i32
        %dma_wait3A_143 = tpu.memref_slice %arg8[%dma_wait3A_141, %dma_wait3A_142] : memref<80x128xf32, #tpu.memory_space<vmem>> -> memref<40x128xf32, #tpu.memory_space<vmem>>
        %dma_wait3A_144 = arith.constant 0 : i32
        %dma_wait3A_145 = tpu.memref_slice %arg14[%add3A_130, %dma_wait3A_144] : memref<10000x128xf32, #tpu.memory_space<vmem_shared>> -> memref<40x128xf32, #tpu.memory_space<vmem_shared>>
        %dma_wait3A_146 = arith.constant 0 : i32
        %dma_wait3A_147 = tpu.memref_slice %arg14[%add3A_130, %dma_wait3A_146] : memref<10000x128xf32, #tpu.memory_space<vmem_shared>> -> memref<40x128xf32, #tpu.memory_space<vmem_shared>>
        %dma_wait3A_148 = arith.constant 0 : i32
        %dma_wait3A_149 = arith.constant 0 : i32
        %dma_wait3A_150 = tpu.memref_slice %arg8[%dma_wait3A_148, %dma_wait3A_149] : memref<80x128xf32, #tpu.memory_space<vmem>> -> memref<40x128xf32, #tpu.memory_space<vmem>>
        tpu.wait_dma2 semaphore(%run_scoped3A : memref<!tpu.dma_semaphore, #tpu.memory_space<semaphore_mem>>) src(%dma_wait3A_150 : memref<40x128xf32, #tpu.memory_space<vmem>>) dst(%dma_wait3A_147 : memref<40x128xf32, #tpu.memory_space<vmem_shared>>)
        tpu.yield
      }) : () -> ()
    } else {
    }
    %dma_wait3A = arith.constant 0 : i32
    %dma_wait3A_24 = tpu.memref_slice %arg3[%arg0, %arg1, %dma_wait3A] : memref<2x16x10000xi32, #tpu.memory_space<hbm>> -> memref<1x1x10000xi32, #tpu.memory_space<hbm>>
    %dma_wait3A_25 = tpu.memref_squeeze %dma_wait3A_24 : memref<1x1x10000xi32, #tpu.memory_space<hbm>> -> memref<10000xi32, #tpu.memory_space<hbm>>
    %dma_wait3A_26 = arith.constant 0 : i32
    %dma_wait3A_27 = tpu.memref_slice %arg3[%arg0, %arg1, %dma_wait3A_26] : memref<2x16x10000xi32, #tpu.memory_space<hbm>> -> memref<1x1x10000xi32, #tpu.memory_space<hbm>>
    %dma_wait3A_28 = tpu.memref_squeeze %dma_wait3A_27 : memref<1x1x10000xi32, #tpu.memory_space<hbm>> -> memref<10000xi32, #tpu.memory_space<hbm>>
    tpu.wait_dma2 semaphore(%arg12 : memref<!tpu.dma_semaphore, #tpu.memory_space<semaphore_mem>>) src(%dma_wait3A_28 : memref<10000xi32, #tpu.memory_space<hbm>>) dst(%arg6 : memref<10000xi32, #tpu.memory_space<vmem>>)
    %dma_wait3A_29 = arith.constant 0 : i32
    %dma_wait3A_30 = arith.constant 0 : i32
    %dma_wait3A_31 = tpu.memref_slice %arg4[%arg1, %dma_wait3A_29, %dma_wait3A_30] : memref<16x125x80xi32, #tpu.memory_space<hbm>> -> memref<1x125x80xi32, #tpu.memory_space<hbm>>
    %dma_wait3A_32 = tpu.memref_squeeze %dma_wait3A_31 : memref<1x125x80xi32, #tpu.memory_space<hbm>> -> memref<125x80xi32, #tpu.memory_space<hbm>>
    %dma_wait3A_33 = arith.constant 0 : i32
    %dma_wait3A_34 = arith.constant 0 : i32
    %dma_wait3A_35 = tpu.memref_slice %arg4[%arg1, %dma_wait3A_33, %dma_wait3A_34] : memref<16x125x80xi32, #tpu.memory_space<hbm>> -> memref<1x125x80xi32, #tpu.memory_space<hbm>>
    %dma_wait3A_36 = tpu.memref_squeeze %dma_wait3A_35 : memref<1x125x80xi32, #tpu.memory_space<hbm>> -> memref<125x80xi32, #tpu.memory_space<hbm>>
    tpu.wait_dma2 semaphore(%arg13 : memref<!tpu.dma_semaphore, #tpu.memory_space<semaphore_mem>>) src(%dma_wait3A_36 : memref<125x80xi32, #tpu.memory_space<hbm>>) dst(%arg7 : memref<125x80xi32, #tpu.memory_space<vmem>>)
    %dma_start3A_37 = arith.constant 0 : i32
    %dma_start3A_38 = tpu.memref_slice %arg6[%dma_start3A_37] : memref<10000xi32, #tpu.memory_space<vmem>> -> memref<80xi32, #tpu.memory_space<vmem>>
    %dma_start3A_39 = arith.constant 0 : i32
    %dma_start3A_40 = arith.constant 0 : i32
    %dma_start3A_41 = tpu.memref_slice %arg2[%dma_start3A_39, %dma_start3A_40] : memref<20000x128xf32, #tpu.memory_space<hbm>> -> memref<20000x128xf32, #tpu.memory_space<hbm>>
    tpu.enqueue_indirect_dma source(%dma_start3A_41 : memref<20000x128xf32, #tpu.memory_space<hbm>>) target(%arg8 : memref<80x128xf32, #tpu.memory_space<vmem>>) offsets(%dma_start3A_38 : memref<80xi32, #tpu.memory_space<vmem>>) semaphore(%arg10 : memref<!tpu.dma_semaphore, #tpu.memory_space<semaphore_mem>>)
    %dma_start3A_42 = arith.constant 80 : i32
    %dma_start3A_43 = tpu.memref_slice %arg6[%dma_start3A_42] : memref<10000xi32, #tpu.memory_space<vmem>> -> memref<80xi32, #tpu.memory_space<vmem>>
    %dma_start3A_44 = arith.constant 0 : i32
    %dma_start3A_45 = arith.constant 0 : i32
    %dma_start3A_46 = tpu.memref_slice %arg2[%dma_start3A_44, %dma_start3A_45] : memref<20000x128xf32, #tpu.memory_space<hbm>> -> memref<20000x128xf32, #tpu.memory_space<hbm>>
    tpu.enqueue_indirect_dma source(%dma_start3A_46 : memref<20000x128xf32, #tpu.memory_space<hbm>>) target(%arg9 : memref<80x128xf32, #tpu.memory_space<vmem>>) offsets(%dma_start3A_43 : memref<80xi32, #tpu.memory_space<vmem>>) semaphore(%arg11 : memref<!tpu.dma_semaphore, #tpu.memory_space<semaphore_mem>>)
    %barrier3A = arith.constant 0 : index
    tpu.barrier barrier_id(%barrier3A)
    %scan3A_47 = arith.constant 0 : i32
    %scan3A_48 = arith.constant 61 : i32
    %scan3A_49 = arith.addi %scan3A_47, %scan3A_48 : i32
    %scan3A_50 = arith.constant 1 : i32
    scf.for %scan3A_125 = %scan3A_47 to %scan3A_49 step %scan3A_50  : i32 {
      %mul3A_126 = arith.constant 2 : i32
      %mul3A_127 = arith.muli %scan3A_125, %mul3A_126 : i32
      %add3A = arith.constant 0 : i32
      %add3A_128 = arith.addi %add3A, %mul3A_127 : i32
      %dma_wait3A_129 = arith.constant 0 : i32
      %dma_wait3A_130 = tpu.memref_slice %arg6[%dma_wait3A_129] : memref<10000xi32, #tpu.memory_space<vmem>> -> memref<80xi32, #tpu.memory_space<vmem>>
      %dma_wait3A_131 = arith.constant 0 : i32
      %dma_wait3A_132 = arith.constant 0 : i32
      %dma_wait3A_133 = tpu.memref_slice %arg2[%dma_wait3A_131, %dma_wait3A_132] : memref<20000x128xf32, #tpu.memory_space<hbm>> -> memref<20000x128xf32, #tpu.memory_space<hbm>>
      tpu.wait_indirect_dma semaphore(%arg10 : memref<!tpu.dma_semaphore, #tpu.memory_space<semaphore_mem>>) src(%dma_wait3A_133 : memref<20000x128xf32, #tpu.memory_space<hbm>>) dst(%arg8 : memref<80x128xf32, #tpu.memory_space<vmem>>)
      %dma_start3A_134 = arith.constant 0 : i32
      %dma_start3A_135 = tpu.memref_slice %arg7[%add3A_128, %dma_start3A_134] : memref<125x80xi32, #tpu.memory_space<vmem>> -> memref<1x80xi32, #tpu.memory_space<vmem>>
      %dma_start3A_136 = tpu.memref_squeeze %dma_start3A_135 : memref<1x80xi32, #tpu.memory_space<vmem>> -> memref<80xi32, #tpu.memory_space<vmem>>
      %dma_start3A_137 = arith.constant 0 : i32
      %dma_start3A_138 = arith.constant 0 : i32
      %dma_start3A_139 = tpu.memref_slice %arg14[%dma_start3A_137, %dma_start3A_138] : memref<10000x128xf32, #tpu.memory_space<vmem_shared>> -> memref<10000x128xf32, #tpu.memory_space<vmem_shared>>
      tpu.enqueue_indirect_dma source(%arg8 : memref<80x128xf32, #tpu.memory_space<vmem>>) target(%dma_start3A_139 : memref<10000x128xf32, #tpu.memory_space<vmem_shared>>) offsets(%dma_start3A_136 : memref<80xi32, #tpu.memory_space<vmem>>) semaphore(%arg12 : memref<!tpu.dma_semaphore, #tpu.memory_space<semaphore_mem>>) {add = true}
      %dma_wait3A_140 = arith.constant 0 : i32
      %dma_wait3A_141 = tpu.memref_slice %arg6[%dma_wait3A_140] : memref<10000xi32, #tpu.memory_space<vmem>> -> memref<80xi32, #tpu.memory_space<vmem>>
      %dma_wait3A_142 = arith.constant 0 : i32
      %dma_wait3A_143 = arith.constant 0 : i32
      %dma_wait3A_144 = tpu.memref_slice %arg2[%dma_wait3A_142, %dma_wait3A_143] : memref<20000x128xf32, #tpu.memory_space<hbm>> -> memref<20000x128xf32, #tpu.memory_space<hbm>>
      tpu.wait_indirect_dma semaphore(%arg11 : memref<!tpu.dma_semaphore, #tpu.memory_space<semaphore_mem>>) src(%dma_wait3A_144 : memref<20000x128xf32, #tpu.memory_space<hbm>>) dst(%arg9 : memref<80x128xf32, #tpu.memory_space<vmem>>)
      %add3A_145 = arith.constant 1 : i32
      %add3A_146 = arith.addi %add3A_128, %add3A_145 : i32
      %dma_start3A_147 = arith.constant 0 : i32
      %dma_start3A_148 = tpu.memref_slice %arg7[%add3A_146, %dma_start3A_147] : memref<125x80xi32, #tpu.memory_space<vmem>> -> memref<1x80xi32, #tpu.memory_space<vmem>>
      %dma_start3A_149 = tpu.memref_squeeze %dma_start3A_148 : memref<1x80xi32, #tpu.memory_space<vmem>> -> memref<80xi32, #tpu.memory_space<vmem>>
      %dma_start3A_150 = arith.constant 0 : i32
      %dma_start3A_151 = arith.constant 0 : i32
      %dma_start3A_152 = tpu.memref_slice %arg14[%dma_start3A_150, %dma_start3A_151] : memref<10000x128xf32, #tpu.memory_space<vmem_shared>> -> memref<10000x128xf32, #tpu.memory_space<vmem_shared>>
      tpu.enqueue_indirect_dma source(%arg9 : memref<80x128xf32, #tpu.memory_space<vmem>>) target(%dma_start3A_152 : memref<10000x128xf32, #tpu.memory_space<vmem_shared>>) offsets(%dma_start3A_149 : memref<80xi32, #tpu.memory_space<vmem>>) semaphore(%arg13 : memref<!tpu.dma_semaphore, #tpu.memory_space<semaphore_mem>>) {add = true}
      %dma_wait3A_153 = arith.constant 0 : i32
      %dma_wait3A_154 = arith.constant 0 : i32
      %dma_wait3A_155 = tpu.memref_slice %arg7[%dma_wait3A_153, %dma_wait3A_154] : memref<125x80xi32, #tpu.memory_space<vmem>> -> memref<1x80xi32, #tpu.memory_space<vmem>>
      %dma_wait3A_156 = tpu.memref_squeeze %dma_wait3A_155 : memref<1x80xi32, #tpu.memory_space<vmem>> -> memref<80xi32, #tpu.memory_space<vmem>>
      %dma_wait3A_157 = arith.constant 0 : i32
      %dma_wait3A_158 = arith.constant 0 : i32
      %dma_wait3A_159 = tpu.memref_slice %arg14[%dma_wait3A_157, %dma_wait3A_158] : memref<10000x128xf32, #tpu.memory_space<vmem_shared>> -> memref<10000x128xf32, #tpu.memory_space<vmem_shared>>
      tpu.wait_indirect_dma semaphore(%arg12 : memref<!tpu.dma_semaphore, #tpu.memory_space<semaphore_mem>>) src(%arg8 : memref<80x128xf32, #tpu.memory_space<vmem>>) dst(%dma_wait3A_159 : memref<10000x128xf32, #tpu.memory_space<vmem_shared>>)
      %add3A_160 = arith.constant 2 : i32
      %add3A_161 = arith.addi %add3A_128, %add3A_160 : i32
      %mul3A_162 = arith.constant 80 : i32
      %mul3A_163 = arith.muli %add3A_161, %mul3A_162 : i32
      %dma_start3A_164 = tpu.memref_slice %arg6[%mul3A_163] : memref<10000xi32, #tpu.memory_space<vmem>> -> memref<80xi32, #tpu.memory_space<vmem>>
      %dma_start3A_165 = arith.constant 0 : i32
      %dma_start3A_166 = arith.constant 0 : i32
      %dma_start3A_167 = tpu.memref_slice %arg2[%dma_start3A_165, %dma_start3A_166] : memref<20000x128xf32, #tpu.memory_space<hbm>> -> memref<20000x128xf32, #tpu.memory_space<hbm>>
      tpu.enqueue_indirect_dma source(%dma_start3A_167 : memref<20000x128xf32, #tpu.memory_space<hbm>>) target(%arg8 : memref<80x128xf32, #tpu.memory_space<vmem>>) offsets(%dma_start3A_164 : memref<80xi32, #tpu.memory_space<vmem>>) semaphore(%arg10 : memref<!tpu.dma_semaphore, #tpu.memory_space<semaphore_mem>>)
      %dma_wait3A_168 = arith.constant 0 : i32
      %dma_wait3A_169 = arith.constant 0 : i32
      %dma_wait3A_170 = tpu.memref_slice %arg7[%dma_wait3A_168, %dma_wait3A_169] : memref<125x80xi32, #tpu.memory_space<vmem>> -> memref<1x80xi32, #tpu.memory_space<vmem>>
      %dma_wait3A_171 = tpu.memref_squeeze %dma_wait3A_170 : memref<1x80xi32, #tpu.memory_space<vmem>> -> memref<80xi32, #tpu.memory_space<vmem>>
      %dma_wait3A_172 = arith.constant 0 : i32
      %dma_wait3A_173 = arith.constant 0 : i32
      %dma_wait3A_174 = tpu.memref_slice %arg14[%dma_wait3A_172, %dma_wait3A_173] : memref<10000x128xf32, #tpu.memory_space<vmem_shared>> -> memref<10000x128xf32, #tpu.memory_space<vmem_shared>>
      tpu.wait_indirect_dma semaphore(%arg13 : memref<!tpu.dma_semaphore, #tpu.memory_space<semaphore_mem>>) src(%arg9 : memref<80x128xf32, #tpu.memory_space<vmem>>) dst(%dma_wait3A_174 : memref<10000x128xf32, #tpu.memory_space<vmem_shared>>)
      %add3A_175 = arith.constant 3 : i32
      %add3A_176 = arith.addi %add3A_128, %add3A_175 : i32
      %mul3A_177 = arith.constant 80 : i32
      %mul3A_178 = arith.muli %add3A_176, %mul3A_177 : i32
      %dma_start3A_179 = tpu.memref_slice %arg6[%mul3A_178] : memref<10000xi32, #tpu.memory_space<vmem>> -> memref<80xi32, #tpu.memory_space<vmem>>
      %dma_start3A_180 = arith.constant 0 : i32
      %dma_start3A_181 = arith.constant 0 : i32
      %dma_start3A_182 = tpu.memref_slice %arg2[%dma_start3A_180, %dma_start3A_181] : memref<20000x128xf32, #tpu.memory_space<hbm>> -> memref<20000x128xf32, #tpu.memory_space<hbm>>
      tpu.enqueue_indirect_dma source(%dma_start3A_182 : memref<20000x128xf32, #tpu.memory_space<hbm>>) target(%arg9 : memref<80x128xf32, #tpu.memory_space<vmem>>) offsets(%dma_start3A_179 : memref<80xi32, #tpu.memory_space<vmem>>) semaphore(%arg11 : memref<!tpu.dma_semaphore, #tpu.memory_space<semaphore_mem>>)
    }
    %scan3A_51 = arith.constant 61 : i32
    %dma_wait3A_52 = arith.constant 0 : i32
    %dma_wait3A_53 = tpu.memref_slice %arg6[%dma_wait3A_52] : memref<10000xi32, #tpu.memory_space<vmem>> -> memref<80xi32, #tpu.memory_space<vmem>>
    %dma_wait3A_54 = arith.constant 0 : i32
    %dma_wait3A_55 = arith.constant 0 : i32
    %dma_wait3A_56 = tpu.memref_slice %arg2[%dma_wait3A_54, %dma_wait3A_55] : memref<20000x128xf32, #tpu.memory_space<hbm>> -> memref<20000x128xf32, #tpu.memory_space<hbm>>
    tpu.wait_indirect_dma semaphore(%arg10 : memref<!tpu.dma_semaphore, #tpu.memory_space<semaphore_mem>>) src(%dma_wait3A_56 : memref<20000x128xf32, #tpu.memory_space<hbm>>) dst(%arg8 : memref<80x128xf32, #tpu.memory_space<vmem>>)
    %dma_start3A_57 = arith.constant 122 : i32
    %dma_start3A_58 = arith.constant 0 : i32
    %dma_start3A_59 = tpu.memref_slice %arg7[%dma_start3A_57, %dma_start3A_58] : memref<125x80xi32, #tpu.memory_space<vmem>> -> memref<1x80xi32, #tpu.memory_space<vmem>>
    %dma_start3A_60 = tpu.memref_squeeze %dma_start3A_59 : memref<1x80xi32, #tpu.memory_space<vmem>> -> memref<80xi32, #tpu.memory_space<vmem>>
    %dma_start3A_61 = arith.constant 0 : i32
    %dma_start3A_62 = arith.constant 0 : i32
    %dma_start3A_63 = tpu.memref_slice %arg14[%dma_start3A_61, %dma_start3A_62] : memref<10000x128xf32, #tpu.memory_space<vmem_shared>> -> memref<10000x128xf32, #tpu.memory_space<vmem_shared>>
    tpu.enqueue_indirect_dma source(%arg8 : memref<80x128xf32, #tpu.memory_space<vmem>>) target(%dma_start3A_63 : memref<10000x128xf32, #tpu.memory_space<vmem_shared>>) offsets(%dma_start3A_60 : memref<80xi32, #tpu.memory_space<vmem>>) semaphore(%arg12 : memref<!tpu.dma_semaphore, #tpu.memory_space<semaphore_mem>>) {add = true}
    %dma_wait3A_64 = arith.constant 0 : i32
    %dma_wait3A_65 = tpu.memref_slice %arg6[%dma_wait3A_64] : memref<10000xi32, #tpu.memory_space<vmem>> -> memref<80xi32, #tpu.memory_space<vmem>>
    %dma_wait3A_66 = arith.constant 0 : i32
    %dma_wait3A_67 = arith.constant 0 : i32
    %dma_wait3A_68 = tpu.memref_slice %arg2[%dma_wait3A_66, %dma_wait3A_67] : memref<20000x128xf32, #tpu.memory_space<hbm>> -> memref<20000x128xf32, #tpu.memory_space<hbm>>
    tpu.wait_indirect_dma semaphore(%arg11 : memref<!tpu.dma_semaphore, #tpu.memory_space<semaphore_mem>>) src(%dma_wait3A_68 : memref<20000x128xf32, #tpu.memory_space<hbm>>) dst(%arg9 : memref<80x128xf32, #tpu.memory_space<vmem>>)
    %dma_start3A_69 = arith.constant 123 : i32
    %dma_start3A_70 = arith.constant 0 : i32
    %dma_start3A_71 = tpu.memref_slice %arg7[%dma_start3A_69, %dma_start3A_70] : memref<125x80xi32, #tpu.memory_space<vmem>> -> memref<1x80xi32, #tpu.memory_space<vmem>>
    %dma_start3A_72 = tpu.memref_squeeze %dma_start3A_71 : memref<1x80xi32, #tpu.memory_space<vmem>> -> memref<80xi32, #tpu.memory_space<vmem>>
    %dma_start3A_73 = arith.constant 0 : i32
    %dma_start3A_74 = arith.constant 0 : i32
    %dma_start3A_75 = tpu.memref_slice %arg14[%dma_start3A_73, %dma_start3A_74] : memref<10000x128xf32, #tpu.memory_space<vmem_shared>> -> memref<10000x128xf32, #tpu.memory_space<vmem_shared>>
    tpu.enqueue_indirect_dma source(%arg9 : memref<80x128xf32, #tpu.memory_space<vmem>>) target(%dma_start3A_75 : memref<10000x128xf32, #tpu.memory_space<vmem_shared>>) offsets(%dma_start3A_72 : memref<80xi32, #tpu.memory_space<vmem>>) semaphore(%arg13 : memref<!tpu.dma_semaphore, #tpu.memory_space<semaphore_mem>>) {add = true}
    %dma_wait3A_76 = arith.constant 0 : i32
    %dma_wait3A_77 = arith.constant 0 : i32
    %dma_wait3A_78 = tpu.memref_slice %arg7[%dma_wait3A_76, %dma_wait3A_77] : memref<125x80xi32, #tpu.memory_space<vmem>> -> memref<1x80xi32, #tpu.memory_space<vmem>>
    %dma_wait3A_79 = tpu.memref_squeeze %dma_wait3A_78 : memref<1x80xi32, #tpu.memory_space<vmem>> -> memref<80xi32, #tpu.memory_space<vmem>>
    %dma_wait3A_80 = arith.constant 0 : i32
    %dma_wait3A_81 = arith.constant 0 : i32
    %dma_wait3A_82 = tpu.memref_slice %arg14[%dma_wait3A_80, %dma_wait3A_81] : memref<10000x128xf32, #tpu.memory_space<vmem_shared>> -> memref<10000x128xf32, #tpu.memory_space<vmem_shared>>
    tpu.wait_indirect_dma semaphore(%arg12 : memref<!tpu.dma_semaphore, #tpu.memory_space<semaphore_mem>>) src(%arg8 : memref<80x128xf32, #tpu.memory_space<vmem>>) dst(%dma_wait3A_82 : memref<10000x128xf32, #tpu.memory_space<vmem_shared>>)
    %dma_start3A_83 = arith.constant 9920 : i32
    %dma_start3A_84 = tpu.memref_slice %arg6[%dma_start3A_83] : memref<10000xi32, #tpu.memory_space<vmem>> -> memref<80xi32, #tpu.memory_space<vmem>>
    %dma_start3A_85 = arith.constant 0 : i32
    %dma_start3A_86 = arith.constant 0 : i32
    %dma_start3A_87 = tpu.memref_slice %arg2[%dma_start3A_85, %dma_start3A_86] : memref<20000x128xf32, #tpu.memory_space<hbm>> -> memref<20000x128xf32, #tpu.memory_space<hbm>>
    tpu.enqueue_indirect_dma source(%dma_start3A_87 : memref<20000x128xf32, #tpu.memory_space<hbm>>) target(%arg8 : memref<80x128xf32, #tpu.memory_space<vmem>>) offsets(%dma_start3A_84 : memref<80xi32, #tpu.memory_space<vmem>>) semaphore(%arg10 : memref<!tpu.dma_semaphore, #tpu.memory_space<semaphore_mem>>)
    %dma_wait3A_88 = arith.constant 0 : i32
    %dma_wait3A_89 = tpu.memref_slice %arg6[%dma_wait3A_88] : memref<10000xi32, #tpu.memory_space<vmem>> -> memref<80xi32, #tpu.memory_space<vmem>>
    %dma_wait3A_90 = arith.constant 0 : i32
    %dma_wait3A_91 = arith.constant 0 : i32
    %dma_wait3A_92 = tpu.memref_slice %arg2[%dma_wait3A_90, %dma_wait3A_91] : memref<20000x128xf32, #tpu.memory_space<hbm>> -> memref<20000x128xf32, #tpu.memory_space<hbm>>
    tpu.wait_indirect_dma semaphore(%arg10 : memref<!tpu.dma_semaphore, #tpu.memory_space<semaphore_mem>>) src(%dma_wait3A_92 : memref<20000x128xf32, #tpu.memory_space<hbm>>) dst(%arg8 : memref<80x128xf32, #tpu.memory_space<vmem>>)
    %dma_start3A_93 = arith.constant 124 : i32
    %dma_start3A_94 = arith.constant 0 : i32
    %dma_start3A_95 = tpu.memref_slice %arg7[%dma_start3A_93, %dma_start3A_94] : memref<125x80xi32, #tpu.memory_space<vmem>> -> memref<1x80xi32, #tpu.memory_space<vmem>>
    %dma_start3A_96 = tpu.memref_squeeze %dma_start3A_95 : memref<1x80xi32, #tpu.memory_space<vmem>> -> memref<80xi32, #tpu.memory_space<vmem>>
    %dma_start3A_97 = arith.constant 0 : i32
    %dma_start3A_98 = arith.constant 0 : i32
    %dma_start3A_99 = tpu.memref_slice %arg14[%dma_start3A_97, %dma_start3A_98] : memref<10000x128xf32, #tpu.memory_space<vmem_shared>> -> memref<10000x128xf32, #tpu.memory_space<vmem_shared>>
    tpu.enqueue_indirect_dma source(%arg8 : memref<80x128xf32, #tpu.memory_space<vmem>>) target(%dma_start3A_99 : memref<10000x128xf32, #tpu.memory_space<vmem_shared>>) offsets(%dma_start3A_96 : memref<80xi32, #tpu.memory_space<vmem>>) semaphore(%arg12 : memref<!tpu.dma_semaphore, #tpu.memory_space<semaphore_mem>>) {add = true}
    %dma_wait3A_100 = arith.constant 0 : i32
    %dma_wait3A_101 = arith.constant 0 : i32
    %dma_wait3A_102 = tpu.memref_slice %arg7[%dma_wait3A_100, %dma_wait3A_101] : memref<125x80xi32, #tpu.memory_space<vmem>> -> memref<1x80xi32, #tpu.memory_space<vmem>>
    %dma_wait3A_103 = tpu.memref_squeeze %dma_wait3A_102 : memref<1x80xi32, #tpu.memory_space<vmem>> -> memref<80xi32, #tpu.memory_space<vmem>>
    %dma_wait3A_104 = arith.constant 0 : i32
    %dma_wait3A_105 = arith.constant 0 : i32
    %dma_wait3A_106 = tpu.memref_slice %arg14[%dma_wait3A_104, %dma_wait3A_105] : memref<10000x128xf32, #tpu.memory_space<vmem_shared>> -> memref<10000x128xf32, #tpu.memory_space<vmem_shared>>
    tpu.wait_indirect_dma semaphore(%arg13 : memref<!tpu.dma_semaphore, #tpu.memory_space<semaphore_mem>>) src(%arg9 : memref<80x128xf32, #tpu.memory_space<vmem>>) dst(%dma_wait3A_106 : memref<10000x128xf32, #tpu.memory_space<vmem_shared>>)
    %dma_wait3A_107 = arith.constant 0 : i32
    %dma_wait3A_108 = arith.constant 0 : i32
    %dma_wait3A_109 = tpu.memref_slice %arg7[%dma_wait3A_107, %dma_wait3A_108] : memref<125x80xi32, #tpu.memory_space<vmem>> -> memref<1x80xi32, #tpu.memory_space<vmem>>
    %dma_wait3A_110 = tpu.memref_squeeze %dma_wait3A_109 : memref<1x80xi32, #tpu.memory_space<vmem>> -> memref<80xi32, #tpu.memory_space<vmem>>
    %dma_wait3A_111 = arith.constant 0 : i32
    %dma_wait3A_112 = arith.constant 0 : i32
    %dma_wait3A_113 = tpu.memref_slice %arg14[%dma_wait3A_111, %dma_wait3A_112] : memref<10000x128xf32, #tpu.memory_space<vmem_shared>> -> memref<10000x128xf32, #tpu.memory_space<vmem_shared>>
    tpu.wait_indirect_dma semaphore(%arg12 : memref<!tpu.dma_semaphore, #tpu.memory_space<semaphore_mem>>) src(%arg8 : memref<80x128xf32, #tpu.memory_space<vmem>>) dst(%dma_wait3A_113 : memref<10000x128xf32, #tpu.memory_space<vmem_shared>>)
    %barrier3A_114 = arith.constant 0 : index
    tpu.barrier barrier_id(%barrier3A_114)
    %lt3A_115 = arith.constant 15 : i32
    %lt3A_116 = arith.cmpi slt, %arg1, %lt3A_115 : i32
    %convert_element_type3A_117 = arith.extui %lt3A_116 : i1 to i32
    %cond3A_118 = arith.constant 0 : i32
    %cond3A_119 = arith.cmpi ne, %convert_element_type3A_117, %cond3A_118 : i32
    scf.if %cond3A_119 {
      "tpu.region"() ({
        %run_scoped3A = tpu.sem_alloc : memref<!tpu.dma_semaphore, #tpu.memory_space<semaphore_mem>>
        %dma_start3A_125 = arith.constant 0 : i32
        %dma_start3A_126 = tpu.memref_slice %arg5[%arg0, %mul3A_17, %dma_start3A_125] : memref<2x10000x128xf32, #tpu.memory_space<hbm>> -> memref<1x632x128xf32, #tpu.memory_space<hbm>>
        %dma_start3A_127 = tpu.memref_squeeze %dma_start3A_126 : memref<1x632x128xf32, #tpu.memory_space<hbm>> -> memref<632x128xf32, #tpu.memory_space<hbm>>
        %dma_start3A_128 = arith.constant 0 : i32
        %dma_start3A_129 = tpu.memref_slice %arg14[%mul3A_17, %dma_start3A_128] : memref<10000x128xf32, #tpu.memory_space<vmem_shared>> -> memref<632x128xf32, #tpu.memory_space<vmem_shared>>
        tpu.enqueue_dma source(%dma_start3A_129 : memref<632x128xf32, #tpu.memory_space<vmem_shared>>) target(%dma_start3A_127 : memref<632x128xf32, #tpu.memory_space<hbm>>) target_semaphore(%run_scoped3A : memref<!tpu.dma_semaphore, #tpu.memory_space<semaphore_mem>>)
        %dma_wait3A_130 = arith.constant 0 : i32
        %dma_wait3A_131 = tpu.memref_slice %arg5[%arg0, %mul3A_17, %dma_wait3A_130] : memref<2x10000x128xf32, #tpu.memory_space<hbm>> -> memref<1x632x128xf32, #tpu.memory_space<hbm>>
        %dma_wait3A_132 = tpu.memref_squeeze %dma_wait3A_131 : memref<1x632x128xf32, #tpu.memory_space<hbm>> -> memref<632x128xf32, #tpu.memory_space<hbm>>
        %dma_wait3A_133 = arith.constant 0 : i32
        %dma_wait3A_134 = tpu.memref_slice %arg14[%mul3A_17, %dma_wait3A_133] : memref<10000x128xf32, #tpu.memory_space<vmem_shared>> -> memref<632x128xf32, #tpu.memory_space<vmem_shared>>
        tpu.wait_dma2 semaphore(%run_scoped3A : memref<!tpu.dma_semaphore, #tpu.memory_space<semaphore_mem>>) src(%dma_wait3A_134 : memref<632x128xf32, #tpu.memory_space<vmem_shared>>) dst(%dma_wait3A_132 : memref<632x128xf32, #tpu.memory_space<hbm>>)
        tpu.yield
      }) : () -> ()
    } else {
    }
    %eq3A_120 = arith.constant 15 : i32
    %eq3A_121 = arith.cmpi eq, %arg1, %eq3A_120 : i32
    %convert_element_type3A_122 = arith.extui %eq3A_121 : i1 to i32
    %cond3A_123 = arith.constant 0 : i32
    %cond3A_124 = arith.cmpi ne, %convert_element_type3A_122, %cond3A_123 : i32
    scf.if %cond3A_124 {
      "tpu.region"() ({
        %run_scoped3A = tpu.sem_alloc : memref<!tpu.dma_semaphore, #tpu.memory_space<semaphore_mem>>
        %dma_start3A_125 = arith.constant 0 : i32
        %dma_start3A_126 = tpu.memref_slice %arg5[%arg0, %mul3A_17, %dma_start3A_125] : memref<2x10000x128xf32, #tpu.memory_space<hbm>> -> memref<1x520x128xf32, #tpu.memory_space<hbm>>
        %dma_start3A_127 = tpu.memref_squeeze %dma_start3A_126 : memref<1x520x128xf32, #tpu.memory_space<hbm>> -> memref<520x128xf32, #tpu.memory_space<hbm>>
        %dma_start3A_128 = arith.constant 0 : i32
        %dma_start3A_129 = tpu.memref_slice %arg14[%mul3A_17, %dma_start3A_128] : memref<10000x128xf32, #tpu.memory_space<vmem_shared>> -> memref<520x128xf32, #tpu.memory_space<vmem_shared>>
        tpu.enqueue_dma source(%dma_start3A_129 : memref<520x128xf32, #tpu.memory_space<vmem_shared>>) target(%dma_start3A_127 : memref<520x128xf32, #tpu.memory_space<hbm>>) target_semaphore(%run_scoped3A : memref<!tpu.dma_semaphore, #tpu.memory_space<semaphore_mem>>)
        %dma_wait3A_130 = arith.constant 0 : i32
        %dma_wait3A_131 = tpu.memref_slice %arg5[%arg0, %mul3A_17, %dma_wait3A_130] : memref<2x10000x128xf32, #tpu.memory_space<hbm>> -> memref<1x520x128xf32, #tpu.memory_space<hbm>>
        %dma_wait3A_132 = tpu.memref_squeeze %dma_wait3A_131 : memref<1x520x128xf32, #tpu.memory_space<hbm>> -> memref<520x128xf32, #tpu.memory_space<hbm>>
        %dma_wait3A_133 = arith.constant 0 : i32
        %dma_wait3A_134 = tpu.memref_slice %arg14[%mul3A_17, %dma_wait3A_133] : memref<10000x128xf32, #tpu.memory_space<vmem_shared>> -> memref<520x128xf32, #tpu.memory_space<vmem_shared>>
        tpu.wait_dma2 semaphore(%run_scoped3A : memref<!tpu.dma_semaphore, #tpu.memory_space<semaphore_mem>>) src(%dma_wait3A_134 : memref<520x128xf32, #tpu.memory_space<vmem_shared>>) dst(%dma_wait3A_132 : memref<520x128xf32, #tpu.memory_space<hbm>>)
        tpu.yield
      }) : () -> ()
    } else {
    }
    return
  }
}

module attributes {stable_mosaic.version = 14 : i64} {
  func.func @_scale_split_body(%arg0: i32, %arg1: memref<2000x256xf32, #tpu.memory_space<vmem>>, %arg2: memref<2000x1xf32, #tpu.memory_space<vmem>>, %arg3: memref<2x32000xi32, #tpu.memory_space<vmem>>, %arg4: memref<2x2000x128xf32, #tpu.memory_space<vmem>>, %arg5: memref<2x32000xi32, #tpu.memory_space<vmem>>, %arg6: memref<1x32000xi32, #tpu.memory_space<vmem>>) attributes {dimension_semantics = [#tpu.dimension_semantics<arbitrary>], iteration_bounds = array<i64: 5>, scalar_prefetch = 0 : i64, scratch_operands = 0 : i64, tpu.core_type = #tpu.core_type<tc>, window_params = [{transform_indices = @transform_0, window_bounds = array<i64: 2000, 256>}, {transform_indices = @transform_1, window_bounds = array<i64: 2000, 1>}, {transform_indices = @transform_2, window_bounds = array<i64: 2, 32000>}, {transform_indices = @transform_3, window_bounds = array<i64: 2, 2000, 128>}, {transform_indices = @transform_4, window_bounds = array<i64: 2, 32000>}, {transform_indices = @transform_5, window_bounds = array<i64: 1, 32000>}]} {
    %get3A = arith.constant 0 : index
    %get3A_0 = arith.constant 0 : index
    %get3A_1 = vector.load %arg1[%get3A, %get3A_0] : memref<2000x256xf32, #tpu.memory_space<vmem>>, vector<2000x256xf32>
    %get3A_2 = arith.constant 0 : index
    %get3A_3 = arith.constant 0 : index
    %get3A_4 = vector.load %arg2[%get3A_2, %get3A_3] : memref<2000x1xf32, #tpu.memory_space<vmem>>, vector<2000x1xf32>
    %mul3A = vector.broadcast %get3A_4 : vector<2000x1xf32> to vector<2000x256xf32>
    %mul3A_5 = arith.mulf %get3A_1, %mul3A : vector<2000x256xf32>
    %slice3A = vector.extract_strided_slice %mul3A_5 {offsets = [0, 0], sizes = [2000, 128], strides = [1, 1]} : vector<2000x256xf32> to vector<2000x128xf32>
    %swap3A = arith.constant 0 : index
    %swap3A_6 = arith.constant 0 : index
    %swap3A_7 = arith.constant 0 : index
    %swap3A_8 = vector.load %arg4[%swap3A, %swap3A_6, %swap3A_7] : memref<2x2000x128xf32, #tpu.memory_space<vmem>>, vector<1x2000x128xf32>
    %swap3A_9 = vector.shape_cast %swap3A_8 : vector<1x2000x128xf32> to vector<2000x128xf32>
    %swap3A_10 = vector.shape_cast %slice3A : vector<2000x128xf32> to vector<1x2000x128xf32>
    tpu.vector_store %arg4[%swap3A, %swap3A_6, %swap3A_7], %swap3A_10 {strides = array<i32>} : memref<2x2000x128xf32, #tpu.memory_space<vmem>>, vector<1x2000x128xf32>,
    %slice3A_11 = vector.extract_strided_slice %mul3A_5 {offsets = [0, 128], sizes = [2000, 128], strides = [1, 1]} : vector<2000x256xf32> to vector<2000x128xf32>
    %swap3A_12 = arith.constant 1 : index
    %swap3A_13 = arith.constant 0 : index
    %swap3A_14 = arith.constant 0 : index
    %swap3A_15 = vector.load %arg4[%swap3A_12, %swap3A_13, %swap3A_14] : memref<2x2000x128xf32, #tpu.memory_space<vmem>>, vector<1x2000x128xf32>
    %swap3A_16 = vector.shape_cast %swap3A_15 : vector<1x2000x128xf32> to vector<2000x128xf32>
    %swap3A_17 = vector.shape_cast %slice3A_11 : vector<2000x128xf32> to vector<1x2000x128xf32>
    tpu.vector_store %arg4[%swap3A_12, %swap3A_13, %swap3A_14], %swap3A_17 {strides = array<i32>} : memref<2x2000x128xf32, #tpu.memory_space<vmem>>, vector<1x2000x128xf32>,
    %get3A_18 = arith.constant 0 : index
    %get3A_19 = arith.constant 0 : index
    %get3A_20 = vector.load %arg3[%get3A_18, %get3A_19] : memref<2x32000xi32, #tpu.memory_space<vmem>>, vector<1x32000xi32>
    %add3A = arith.constant 10000 : i32
    %add3A_21 = vector.broadcast %add3A : i32 to vector<1x32000xi32>
    %add3A_22 = arith.addi %get3A_20, %add3A_21 : vector<1x32000xi32>
    %concatenate3A = tpu.concatenate %get3A_20, %add3A_22 in 0 : vector<1x32000xi32>, vector<1x32000xi32> -> vector<2x32000xi32>
    %swap3A_23 = arith.constant 0 : index
    %swap3A_24 = arith.constant 0 : index
    %swap3A_25 = vector.load %arg5[%swap3A_23, %swap3A_24] : memref<2x32000xi32, #tpu.memory_space<vmem>>, vector<2x32000xi32>
    tpu.vector_store %arg5[%swap3A_23, %swap3A_24], %concatenate3A {strides = array<i32>} : memref<2x32000xi32, #tpu.memory_space<vmem>>, vector<2x32000xi32>,
    %get3A_26 = arith.constant 1 : index
    %get3A_27 = arith.constant 0 : index
    %get3A_28 = vector.load %arg3[%get3A_26, %get3A_27] : memref<2x32000xi32, #tpu.memory_space<vmem>>, vector<1x32000xi32>
    %swap3A_29 = arith.constant 0 : index
    %swap3A_30 = arith.constant 0 : index
    %swap3A_31 = vector.load %arg6[%swap3A_29, %swap3A_30] : memref<1x32000xi32, #tpu.memory_space<vmem>>, vector<1x32000xi32>
    tpu.vector_store %arg6[%swap3A_29, %swap3A_30], %get3A_28 {strides = array<i32>} : memref<1x32000xi32, #tpu.memory_space<vmem>>, vector<1x32000xi32>,
    return
  }
  func.func @transform_0(%arg0: i32) -> (i32, i32) {
    %c0_i32 = arith.constant 0 : i32
    %c0_i32_0 = arith.constant 0 : i32
    return %arg0, %c0_i32 : i32, i32
  }
  func.func @transform_1(%arg0: i32) -> (i32, i32) {
    %c0_i32 = arith.constant 0 : i32
    %c0_i32_0 = arith.constant 0 : i32
    return %arg0, %c0_i32 : i32, i32
  }
  func.func @transform_2(%arg0: i32) -> (i32, i32) {
    %c0_i32 = arith.constant 0 : i32
    %c0_i32_0 = arith.constant 0 : i32
    return %c0_i32, %arg0 : i32, i32
  }
  func.func @transform_3(%arg0: i32) -> (i32, i32, i32) {
    %c0_i32 = arith.constant 0 : i32
    %c0_i32_0 = arith.constant 0 : i32
    %c0_i32_1 = arith.constant 0 : i32
    return %c0_i32, %arg0, %c0_i32_0 : i32, i32, i32
  }
  func.func @transform_4(%arg0: i32) -> (i32, i32) {
    %c0_i32 = arith.constant 0 : i32
    %c0_i32_0 = arith.constant 0 : i32
    return %c0_i32, %arg0 : i32, i32
  }
  func.func @transform_5(%arg0: i32) -> (i32, i32) {
    %c0_i32 = arith.constant 0 : i32
    %c0_i32_0 = arith.constant 0 : i32
    return %c0_i32, %arg0 : i32, i32
  }
}

module attributes {stable_mosaic.version = 14 : i64} {
  func.func @_mlp_body(%arg0: i32, %arg1: memref<2x2000x128xf32, #tpu.memory_space<vmem>>, %arg2: memref<2000x1xf32, #tpu.memory_space<vmem>>, %arg3: memref<256x512xf32, #tpu.memory_space<vmem>>, %arg4: memref<1x512xf32, #tpu.memory_space<vmem>>, %arg5: memref<512x256xf32, #tpu.memory_space<vmem>>, %arg6: memref<2x2000x128xf32, #tpu.memory_space<vmem>>) attributes {dimension_semantics = [#tpu.dimension_semantics<arbitrary>], iteration_bounds = array<i64: 5>, scalar_prefetch = 0 : i64, scratch_operands = 0 : i64, tpu.core_type = #tpu.core_type<tc>, window_params = [{transform_indices = @transform_0, window_bounds = array<i64: 2, 2000, 128>}, {transform_indices = @transform_1, window_bounds = array<i64: 2000, 1>}, {pipeline_mode = #tpu.pipeline_mode<synchronous>, transform_indices = @transform_2, window_bounds = array<i64: 256, 512>}, {pipeline_mode = #tpu.pipeline_mode<synchronous>, transform_indices = @transform_3, window_bounds = array<i64: 1, 512>}, {pipeline_mode = #tpu.pipeline_mode<synchronous>, transform_indices = @transform_4, window_bounds = array<i64: 512, 256>}, {transform_indices = @transform_5, window_bounds = array<i64: 2, 2000, 128>}]} {
    %get3A = arith.constant 0 : index
    %get3A_0 = arith.constant 0 : index
    %get3A_1 = arith.constant 0 : index
    %get3A_2 = vector.load %arg1[%get3A, %get3A_0, %get3A_1] : memref<2x2000x128xf32, #tpu.memory_space<vmem>>, vector<1x2000x128xf32>
    %get3A_3 = vector.shape_cast %get3A_2 : vector<1x2000x128xf32> to vector<2000x128xf32>
    %get3A_4 = arith.constant 1 : index
    %get3A_5 = arith.constant 0 : index
    %get3A_6 = arith.constant 0 : index
    %get3A_7 = vector.load %arg1[%get3A_4, %get3A_5, %get3A_6] : memref<2x2000x128xf32, #tpu.memory_space<vmem>>, vector<1x2000x128xf32>
    %get3A_8 = vector.shape_cast %get3A_7 : vector<1x2000x128xf32> to vector<2000x128xf32>
    %concatenate3A = tpu.concatenate %get3A_3, %get3A_8 in 1 : vector<2000x128xf32>, vector<2000x128xf32> -> vector<2000x256xf32>
    %get3A_9 = arith.constant 0 : index
    %get3A_10 = arith.constant 0 : index
    %get3A_11 = vector.load %arg2[%get3A_9, %get3A_10] : memref<2000x1xf32, #tpu.memory_space<vmem>>, vector<2000x1xf32>
    %mul3A = vector.broadcast %get3A_11 : vector<2000x1xf32> to vector<2000x256xf32>
    %mul3A_12 = arith.mulf %concatenate3A, %mul3A : vector<2000x256xf32>
    %get3A_13 = arith.constant 0 : index
    %get3A_14 = arith.constant 0 : index
    %get3A_15 = vector.load %arg3[%get3A_13, %get3A_14] : memref<256x512xf32, #tpu.memory_space<vmem>>, vector<256x512xf32>
    %dot_general3A = arith.constant dense<0.000000e+00> : vector<2000x512xf32>
    %dot_general3A_16 = tpu.matmul %mul3A_12, %get3A_15, %dot_general3A {dimension_numbers = #tpu.dot_dimension_numbers<[1], [0], [0], [1], [0, 0, 1, 1], [], []>, transpose_lhs_hint = false} : vector<2000x256xf32>, vector<256x512xf32>, vector<2000x512xf32> -> vector<2000x512xf32>
    %get3A_17 = arith.constant 0 : index
    %get3A_18 = arith.constant 0 : index
    %get3A_19 = vector.load %arg4[%get3A_17, %get3A_18] : memref<1x512xf32, #tpu.memory_space<vmem>>, vector<1x512xf32>
    %add3A = vector.broadcast %get3A_19 : vector<1x512xf32> to vector<2000x512xf32>
    %add3A_20 = arith.addf %dot_general3A_16, %add3A : vector<2000x512xf32>
    %max3A = arith.constant 0.000000e+00 : f32
    %max3A_21 = vector.broadcast %max3A : f32 to vector<2000x512xf32>
    %max3A_22 = arith.maximumf %add3A_20, %max3A_21 : vector<2000x512xf32>
    %mul3A_23 = vector.broadcast %get3A_11 : vector<2000x1xf32> to vector<2000x512xf32>
    %mul3A_24 = arith.mulf %max3A_22, %mul3A_23 : vector<2000x512xf32>
    %get3A_25 = arith.constant 0 : index
    %get3A_26 = arith.constant 0 : index
    %get3A_27 = vector.load %arg5[%get3A_25, %get3A_26] : memref<512x256xf32, #tpu.memory_space<vmem>>, vector<512x256xf32>
    %dot_general3A_28 = arith.constant dense<0.000000e+00> : vector<2000x256xf32>
    %dot_general3A_29 = tpu.matmul %mul3A_24, %get3A_27, %dot_general3A_28 {dimension_numbers = #tpu.dot_dimension_numbers<[1], [0], [0], [1], [0, 0, 1, 1], [], []>, transpose_lhs_hint = false} : vector<2000x512xf32>, vector<512x256xf32>, vector<2000x256xf32> -> vector<2000x256xf32>
    %slice3A = vector.extract_strided_slice %dot_general3A_29 {offsets = [0, 0], sizes = [2000, 128], strides = [1, 1]} : vector<2000x256xf32> to vector<2000x128xf32>
    %swap3A = arith.constant 0 : index
    %swap3A_30 = arith.constant 0 : index
    %swap3A_31 = arith.constant 0 : index
    %swap3A_32 = vector.load %arg6[%swap3A, %swap3A_30, %swap3A_31] : memref<2x2000x128xf32, #tpu.memory_space<vmem>>, vector<1x2000x128xf32>
    %swap3A_33 = vector.shape_cast %swap3A_32 : vector<1x2000x128xf32> to vector<2000x128xf32>
    %swap3A_34 = vector.shape_cast %slice3A : vector<2000x128xf32> to vector<1x2000x128xf32>
    tpu.vector_store %arg6[%swap3A, %swap3A_30, %swap3A_31], %swap3A_34 {strides = array<i32>} : memref<2x2000x128xf32, #tpu.memory_space<vmem>>, vector<1x2000x128xf32>,
    %slice3A_35 = vector.extract_strided_slice %dot_general3A_29 {offsets = [0, 128], sizes = [2000, 128], strides = [1, 1]} : vector<2000x256xf32> to vector<2000x128xf32>
    %swap3A_36 = arith.constant 1 : index
    %swap3A_37 = arith.constant 0 : index
    %swap3A_38 = arith.constant 0 : index
    %swap3A_39 = vector.load %arg6[%swap3A_36, %swap3A_37, %swap3A_38] : memref<2x2000x128xf32, #tpu.memory_space<vmem>>, vector<1x2000x128xf32>
    %swap3A_40 = vector.shape_cast %swap3A_39 : vector<1x2000x128xf32> to vector<2000x128xf32>
    %swap3A_41 = vector.shape_cast %slice3A_35 : vector<2000x128xf32> to vector<1x2000x128xf32>
    tpu.vector_store %arg6[%swap3A_36, %swap3A_37, %swap3A_38], %swap3A_41 {strides = array<i32>} : memref<2x2000x128xf32, #tpu.memory_space<vmem>>, vector<1x2000x128xf32>,
    return
  }
  func.func @transform_0(%arg0: i32) -> (i32, i32, i32) {
    %c0_i32 = arith.constant 0 : i32
    %c0_i32_0 = arith.constant 0 : i32
    %c0_i32_1 = arith.constant 0 : i32
    return %c0_i32, %arg0, %c0_i32_0 : i32, i32, i32
  }
  func.func @transform_1(%arg0: i32) -> (i32, i32) {
    %c0_i32 = arith.constant 0 : i32
    %c0_i32_0 = arith.constant 0 : i32
    return %arg0, %c0_i32 : i32, i32
  }
  func.func @transform_2(%arg0: i32) -> (i32, i32) {
    %c0_i32 = arith.constant 0 : i32
    %c0_i32_0 = arith.constant 0 : i32
    %c0_i32_1 = arith.constant 0 : i32
    return %c0_i32, %c0_i32_0 : i32, i32
  }
  func.func @transform_3(%arg0: i32) -> (i32, i32) {
    %c0_i32 = arith.constant 0 : i32
    %c0_i32_0 = arith.constant 0 : i32
    %c0_i32_1 = arith.constant 0 : i32
    return %c0_i32, %c0_i32_0 : i32, i32
  }
  func.func @transform_4(%arg0: i32) -> (i32, i32) {
    %c0_i32 = arith.constant 0 : i32
    %c0_i32_0 = arith.constant 0 : i32
    %c0_i32_1 = arith.constant 0 : i32
    return %c0_i32, %c0_i32_0 : i32, i32
  }
  func.func @transform_5(%arg0: i32) -> (i32, i32, i32) {
    %c0_i32 = arith.constant 0 : i32
    %c0_i32_0 = arith.constant 0 : i32
    %c0_i32_1 = arith.constant 0 : i32
    return %c0_i32, %arg0, %c0_i32_0 : i32, i32, i32
  }
}

module attributes {stable_mosaic.version = 14 : i64} {
  func.func @_finish_body(%arg0: i32, %arg1: memref<2x2000x128xf32, #tpu.memory_space<vmem>>, %arg2: memref<2000x1xf32, #tpu.memory_space<vmem>>, %arg3: memref<1x256xf32, #tpu.memory_space<vmem>>, %arg4: memref<2000x256xf32, #tpu.memory_space<vmem>>) attributes {dimension_semantics = [#tpu.dimension_semantics<arbitrary>], iteration_bounds = array<i64: 5>, scalar_prefetch = 0 : i64, scratch_operands = 0 : i64, tpu.core_type = #tpu.core_type<tc>, window_params = [{transform_indices = @transform_0, window_bounds = array<i64: 2, 2000, 128>}, {transform_indices = @transform_1, window_bounds = array<i64: 2000, 1>}, {pipeline_mode = #tpu.pipeline_mode<synchronous>, transform_indices = @transform_2, window_bounds = array<i64: 1, 256>}, {transform_indices = @transform_3, window_bounds = array<i64: 2000, 256>}]} {
    %get3A = arith.constant 0 : index
    %get3A_0 = arith.constant 0 : index
    %get3A_1 = arith.constant 0 : index
    %get3A_2 = vector.load %arg1[%get3A, %get3A_0, %get3A_1] : memref<2x2000x128xf32, #tpu.memory_space<vmem>>, vector<1x2000x128xf32>
    %get3A_3 = vector.shape_cast %get3A_2 : vector<1x2000x128xf32> to vector<2000x128xf32>
    %get3A_4 = arith.constant 1 : index
    %get3A_5 = arith.constant 0 : index
    %get3A_6 = arith.constant 0 : index
    %get3A_7 = vector.load %arg1[%get3A_4, %get3A_5, %get3A_6] : memref<2x2000x128xf32, #tpu.memory_space<vmem>>, vector<1x2000x128xf32>
    %get3A_8 = vector.shape_cast %get3A_7 : vector<1x2000x128xf32> to vector<2000x128xf32>
    %concatenate3A = tpu.concatenate %get3A_3, %get3A_8 in 1 : vector<2000x128xf32>, vector<2000x128xf32> -> vector<2000x256xf32>
    %get3A_9 = arith.constant 0 : index
    %get3A_10 = arith.constant 0 : index
    %get3A_11 = vector.load %arg2[%get3A_9, %get3A_10] : memref<2000x1xf32, #tpu.memory_space<vmem>>, vector<2000x1xf32>
    %mul3A = vector.broadcast %get3A_11 : vector<2000x1xf32> to vector<2000x256xf32>
    %mul3A_12 = arith.mulf %concatenate3A, %mul3A : vector<2000x256xf32>
    %get3A_13 = arith.constant 0 : index
    %get3A_14 = arith.constant 0 : index
    %get3A_15 = vector.load %arg3[%get3A_13, %get3A_14] : memref<1x256xf32, #tpu.memory_space<vmem>>, vector<1x256xf32>
    %add3A = vector.broadcast %get3A_15 : vector<1x256xf32> to vector<2000x256xf32>
    %add3A_16 = arith.addf %mul3A_12, %add3A : vector<2000x256xf32>
    %swap3A = arith.constant 0 : index
    %swap3A_17 = arith.constant 0 : index
    %swap3A_18 = vector.load %arg4[%swap3A, %swap3A_17] : memref<2000x256xf32, #tpu.memory_space<vmem>>, vector<2000x256xf32>
    tpu.vector_store %arg4[%swap3A, %swap3A_17], %add3A_16 {strides = array<i32>} : memref<2000x256xf32, #tpu.memory_space<vmem>>, vector<2000x256xf32>,
    return
  }
  func.func @transform_0(%arg0: i32) -> (i32, i32, i32) {
    %c0_i32 = arith.constant 0 : i32
    %c0_i32_0 = arith.constant 0 : i32
    %c0_i32_1 = arith.constant 0 : i32
    return %c0_i32, %arg0, %c0_i32_0 : i32, i32, i32
  }
  func.func @transform_1(%arg0: i32) -> (i32, i32) {
    %c0_i32 = arith.constant 0 : i32
    %c0_i32_0 = arith.constant 0 : i32
    return %arg0, %c0_i32 : i32, i32
  }
  func.func @transform_2(%arg0: i32) -> (i32, i32) {
    %c0_i32 = arith.constant 0 : i32
    %c0_i32_0 = arith.constant 0 : i32
    %c0_i32_1 = arith.constant 0 : i32
    return %c0_i32, %c0_i32_0 : i32, i32
  }
  func.func @transform_3(%arg0: i32) -> (i32, i32) {
    %c0_i32 = arith.constant 0 : i32
    %c0_i32_0 = arith.constant 0 : i32
    return %arg0, %c0_i32 : i32, i32
  }
}

</mosaic_0001>

<sc_bundles>
// kernel: kernel.10.cloned.1.call-start
scs
__scs_entry_jumppad:
0x0: {  	(pc) =	sbr.rel $0x88, $3  }
0x1: {  	(tag) =	ssettag $0x0;
	lr =	simm.s32 $0x1  }
0x2: {  	[smem:$0x3F9A] =	sst lr;
	_ =	strace $0xD0000000  }
0x3: {  	_ = 	snop  }
0x4: {  	_ = 	snop  }
0x5: {  	_ = 	snop  }
0x6: {  	_ = 	snop  }
0x7: {  	_ = 	snop  }
__scs_overlays_trampoline_lowered:
0x8: {  	[smem:$0x3FA9] =	sst s0  }
0x9: {  	[smem:$0x3FAA] =	sst s1  }
0xa: {  	[smem:$0x3FAB] =	sst s2  }
0xb: {  	[smem:$0x3FAC] =	sst s3  }
0xc: {  	[smem:$0x3FAD] =	sst s4  }
0xd: {  	[smem:$0x3FAE] =	sst s5  }
0xe: {  	[smem:$0x3FAF] =	sst s6  }
0xf: {  	[smem:$0x3FB0] =	sst s7  }
0x10: {  	[smem:$0x3FB1] =	sst s8  }
0x11: {  	[smem:$0x3FB2] =	sst s9;
	s0 =	simm.s32 @!p0 $0x0  }
0x12: {  	s1 =	sld [smem:$0x3F98];
	s0 =	simm.s32 @p0 $0x1  }
0x13: {  	[smem:$0x3FB3] =	sst s0;
	s0 =	simm.s32 @!p1 $0x0  }
0x14: {  	s2 =	sld [smem:$0x3F97];
	s0 =	simm.s32 @p1 $0x1  }
0x15: {  	[smem:$0x3FB4] =	sst s0;
	s0 =	simm.s32 @!p2 $0x0  }
0x16: {  	s3 =	sld [smem:$0x3FDB];
	s0 =	simm.s32 @p2 $0x1  }
0x17: {  	s4 =	simm.s32 $0x1BF5;
	[smem:$0x3FB6] =	sst s0  }
0x18: {  	s0 =	sld [smem:$0x3F99];
	_ =	swait.ge [sflag:s4], $0x0  }
0x19: {  	s7 =	sld [smem:$0x3F9A]  }
0x1a: {  	s8 =	sadd.s32 $0xFFFFE003, lr  }
0x1b: {  	s9 =	sadd.s32 $0xFFFFFEF7, lr;
	s5 =	simm.s32 $0xFFFFFFFF;
	p2 =	slt.u32 s8, $0xFFFFF086  }
0x1c: {  	p1 =	slt.u32 s9, $0xF7A;
	s5 =	simm.s32 @!p2 $0x0  }
0x1d: {  	s5 =	simm.s32 @p1 $0x1;
	p0 =	seq.s32 s7, s2  }
0x1e: {  	s7 =	smul.u32 @!p0 $0xF7A, s2;
	p2 =	seq.s32 @!p0 s5, $0x0  }
0x1f: {  	s9 =	smul.u32 $0xF7A, s1;
	s8 =	simm.s32 @!p0 $0x1BF5;
	p2 =	por !p2, p0  }
0x20: {  	[sflag:s8] =	ssyncset.s32 @!p0 $0xFFFFF086;
	s6 =	sadd.s32 @!p0 s3, s7;
	s7 =	simm.s32 @!p0 $0x108  }
0x21: {  	s3 =	sadd.s32 s3, s9;
	s6 =	sadd.s32 @!p0 $0x88, s6;
	s7 =	simm.s32 @p2 $0x1082  }
0x22: {  	[simem:s7], [sflag:s8] =	dma.local @!p0 [hbm:s6], $0xF7A  }
0x23: {  	s9 =	sor.u32 $0xD0000000, s2;
	s6 =	simm.s32 $0x108;
	_ =	swait.ge @!p0 [sflag:s8], $0x0  }
0x24: {  	s3 =	sadd.s32 $0x88, s3;
	s6 =	simm.s32 @!p1 $0x1082;
	[sflag:s4] =	ssyncset.s32 $0xFFFFF086  }
0x25: {  	[simem:s6], [sflag:s4] =	dma.local [hbm:s3], $0xF7A  }
0x26: {  	[smem:$0x3F9A] =	sst s1;
	(tag) =	ssettag s2;
	_ =	strace s9  }
0x27: {  	s1 =	sld [smem:$0x3FAA]  }
0x28: {  	s2 =	sld [smem:$0x3FAB]  }
0x29: {  	s4 =	sld [smem:$0x3FAD]  }
0x2a: {  	p0 =	seq.s32 s5, $0x0;
	s5 =	sld [smem:$0x3FAE]  }
0x2b: {  	s6 =	sld [smem:$0x3FAF]  }
0x2c: {  	s7 =	sld [smem:$0x3FB0]  }
0x2d: {  	s3 =	simm.s32 $0x108;
	s8 =	sld [smem:$0x3FB1]  }
0x2e: {  	s3 =	simm.s32 @!p0 $0x1082;
	s9 =	sld [smem:$0x3FB2]  }
0x2f: {  	lr =	sadd.s32 s0, s3;
	s0 =	sld [smem:$0x3FA9]  }
0x30: {  	s3 =	sld [smem:$0x3FAC]  }
0x31: {  	[smem:$0x3FB5] =	sst s10  }
0x32: {  	s10 =	sld [smem:$0x3FB3];
	_ =	sdelay $0x3  }
0x33: {  	p0 =	seq.s32 s10, $0x1;
	s10 =	sld [smem:$0x3FB5];
	_ =	sdelay $0x3  }
0x34: {  	[smem:$0x3FB5] =	sst s10  }
0x35: {  	s10 =	sld [smem:$0x3FB4];
	_ =	sdelay $0x3  }
0x36: {  	p1 =	seq.s32 s10, $0x1;
	s10 =	sld [smem:$0x3FB5];
	_ =	sdelay $0x3  }
0x37: {  	[smem:$0x3FB5] =	sst s10  }
0x38: {  	s10 =	sld [smem:$0x3FB6]  }
0x39: {  	_ = 	snop;
	(pc) =	sbr.ind lr, $3  }
0x3a: {  	_ = 	snop  }
0x3b: {  	_ = 	snop  }
0x3c: {  	p2 =	seq.s32 s10, $0x1;
	s10 =	sld [smem:$0x3FB5]  }
0x3d: {  	_ =	shalt  }
0x3e: {  	_ =	shalt  }
0x3f: {  	_ =	shalt  }
0x40: {  	_ =	shalt  }
0x41: {  	_ =	shalt  }
0x42: {  	_ =	shalt  }
0x43: {  	_ =	shalt  }
0x44: {  	_ =	shalt  }
0x45: {  	_ =	shalt  }
0x46: {  	_ =	shalt  }
0x47: {  	_ =	shalt  }
0x48: {  	_ =	shalt  }
0x49: {  	_ =	shalt  }
0x4a: {  	_ =	shalt  }
0x4b: {  	_ =	shalt  }
0x4c: {  	_ =	shalt  }
0x4d: {  	_ =	shalt  }
0x4e: {  	_ =	shalt  }
0x4f: {  	_ =	shalt  }
0x50: {  	_ =	shalt  }
0x51: {  	_ =	shalt  }
0x52: {  	_ =	shalt  }
0x53: {  	_ =	shalt  }
0x54: {  	_ =	shalt  }
0x55: {  	_ =	shalt  }
0x56: {  	_ =	shalt  }
0x57: {  	_ =	shalt  }
0x58: {  	_ =	shalt  }
0x59: {  	_ =	shalt  }
0x5a: {  	_ =	shalt  }
0x5b: {  	_ =	shalt  }
0x5c: {  	_ =	shalt  }
0x5d: {  	_ =	shalt  }
0x5e: {  	_ =	shalt  }
0x5f: {  	_ =	shalt  }
0x60: {  	_ =	shalt  }
0x61: {  	_ =	shalt  }
0x62: {  	_ =	shalt  }
0x63: {  	_ =	shalt  }
0x64: {  	_ =	shalt  }
0x65: {  	_ =	shalt  }
0x66: {  	_ =	shalt  }
0x67: {  	_ =	shalt  }
0x68: {  	_ =	shalt  }
0x69: {  	_ =	shalt  }
0x6a: {  	_ =	shalt  }
0x6b: {  	_ =	shalt  }
0x6c: {  	_ =	shalt  }
0x6d: {  	_ =	shalt  }
0x6e: {  	_ =	shalt  }
0x6f: {  	_ =	shalt  }
0x70: {  	_ =	shalt  }
0x71: {  	_ =	shalt  }
0x72: {  	_ =	shalt  }
0x73: {  	_ =	shalt  }
0x74: {  	_ =	shalt  }
0x75: {  	_ =	shalt  }
0x76: {  	_ =	shalt  }
0x77: {  	_ =	shalt  }
0x78: {  	_ =	shalt  }
0x79: {  	_ =	shalt  }
0x7a: {  	_ =	shalt  }
0x7b: {  	_ =	shalt  }
0x7c: {  	_ =	shalt  }
0x7d: {  	_ =	shalt  }
0x7e: {  	_ =	shalt  }
0x7f: {  	_ =	shalt  }
0x80: {  	_ =	shalt  }
0x81: {  	_ =	shalt  }
0x82: {  	_ =	shalt  }
0x83: {  	_ =	shalt  }
0x84: {  	_ =	shalt  }
0x85: {  	_ =	shalt  }
0x86: {  	_ =	shalt  }
0x87: {  	_ =	shalt  }
.Lfunc_end0:
.L_simem_size_0:
called_computation.1_lowered:
.L_overlay_start_0:
0x88: {  	s2 =	sld [smem:$0x3FD9]  }
0x89: {  	s3 =	sld [smem:$0x3FFE];
	_ =	sdelay $0x1  }
0x8a: {  	s1 =	srdreg.scid  }
0x8b: {  	s0 =	sand.u32 $0x1, s1  }
0x8c: {  	s17 =	sshll.u32 s0, $0xA;
	s2 =	sadd.s32 s3, s2  }
0x8d: {  	s2 =	sadd.s32 s2, s17  }
0x8e: {  	[smem:$0x3FC1] =	sst s2  }
0x8f: {  	_ = 	snop  }
0x90: {  	s2 =	sld [smem:$0x3FD0];
	(tm) =	ssettm $0x1  }
0x91: {  	s18 =	sld [smem:$0x3FFB];
	_ =	sdelay $0x3  }
0x92: {  	_ =	strace s18  }
0x93: {  	s3 =	sld [smem:$0x3FFC];
	_ =	sdelay $0x3  }
0x94: {  	_ =	strace s3  }
0x95: {  	s3 =	sld [smem:$0x3FFD];
	_ =	sdelay $0x3  }
0x96: {  	_ =	strace s3  }
0x97: {  	_ =	strace $0x8FFFFFFF  }
0x98: {  	s19 =	sld [smem:$0x3FDB];
	_ =	sdelay $0x1  }
0x99: {  	s4 =	simm.s32 $_scs_section_size  }
0x9a: {  	s5 =	simm.s32 $_size__tile_overlayer_lowered;
	s6 =	simm.s32 $_tile_overlayer_lowered  }
0x9b: {  	s22 =	simm.s32 $0x1BFF;
	s21 =	sshll.u32 s6, $0x1;
	s3 =	sadd.s32 s4, s19  }
0x9c: {  	s7 =	simm.s32 $0x0;
	s20 =	sshll.u32 s5, $0x1;
	s5 =	sadd.s32 s21, s3  }
0x9d: {  	[timem:s7], [sflag:s22] =	dma.local [hbm:s5], s20  }
0x9e: {  	_ =	swait.ge [sflag:s22], s20  }
0x9f: {  	s4 =	ssub.s32 $0x0, s20;
	[sflag:s22] =	ssyncset.done $0x0  }
0xa0: {  	[sflag:s22] =	ssyncadd.s32 s4;
	_ =	sdelay $0x1  }
0xa1: {  	s23 =	simm.s32 $0x1B8B  }
0xa2: {  	_ =	swait.ge [sflag:s23], $0x1  }
0xa3: {  	[sflag:s23] =	ssyncset.done $0x0  }
0xa4: {  	s25 =	simm.s32 $0x1B8E;
	s24 =	sld [smem:$0x3FFE];
	[sflag:s23] =	ssyncadd.s32 $0xFFFFFFFF  }
0xa5: {  	s26 =	simm.s32 $execute0_lowered;
	[smem:$0x3FD2] =	sst s25  }
0xa6: {  	s5 =	sshll.u32 s26, $0x1;
	_ =	strace $0x80000049;
	[dreg:$0x1] =	wrdreg $0xFFFFFFFF  }
0xa7: {  	s28 =	simm.s32 $_size_execute0_lowered;
	s3 =	sadd.s32 s3, s5;
	[dreg:$0x0] =	wrdreg $0x0  }
0xa8: {  	s5 =	sshll.u32 s28, $0x1;
	[dreg:$0x2] =	wrdreg s3  }
0xa9: {  	[dreg:$0x3] =	wrdreg s5  }
0xaa: {  	[dreg:$0x4] =	wrdreg $0xC0  }
0xab: {  	_ =	task [dreg:s7], $0x5FFFF  }
0xac: {  	[dreg:$0x1] =	wrdreg $0xFFFFFFFF  }
0xad: {  	[dreg:$0x0] =	wrdreg $0x60  }
0xae: {  	[dreg:$0x2] =	wrdreg s2  }
0xaf: {  	[dreg:$0x3] =	wrdreg s24  }
0xb0: {  	[dreg:$0x4] =	wrdreg $0xB7800  }
0xb1: {  	[dreg:$0x5] =	wrdreg $0x9  }
0xb2: {  	_ =	task.clear_ibuf [dreg:s7], $0x6FFFF;
	_ =	strace $0x90000049  }
0xb3: {  	s29 =	simm.s32 $0x9;
	_ =	strace $0x8000004B  }
0xb4: {  	_ =	swait.ge [sflag:s29], $0x1  }
0xb5: {  	[sflag:s29] =	ssyncadd.s32 $0xFFFFFFFF  }
0xb6: {  	_ =	strace $0x9000004B  }
0xb7: {  	_ =	sfence  }
0xb8: {  	s30 =	sld [smem:$0x0];
	_ =	sdelay $0x2  }
0xb9: {  	s31 =	sshll.u32 s1, $0xD;
	s1 =	sshrl.u32 s1, $0x2  }
0xba: {  	s3 =	sand.u32 $0x4000, s31;
	s1 =	sadd.s32 s1, s30  }
0xbb: {  	s0 =	sor.u32 s3, s0;
	s1 =	sshll.u32 s1, $0x11  }
0xbc: {  	s0 =	sor.u32 s1, s0  }
0xbd: {  	s0 =	sadd.s32 $0x8F2B, s0  }
0xbe: {  	[sflag:s0] =	ssyncadd.remote.s32 $0x1  }
0xbf: {  	_ =	sfence.sel $0xFFFF  }
0xc0: {  	[dreg:$0x0] =	wrdreg $0xFFFFFFFF;
	(pc) =	sbr.abs _section_cstart, $3  }
0xc1: {  	[dreg:$0x1] =	wrdreg $0xFFFFFFFF  }
0xc2: {  	_ =	task.clear_ibuf [dreg:s7], $0x2FFFF;
	_ =	strace $0x9FFFFFFF  }
0xc3: {  	(tm) =	ssettm $0x7FFFFFFF  }
tec
execute0_lowered:
.L_overlay_start_1:
0x0: {  	(tag) =	ssettag $0x1  }
0x1: {  	s1 =	rddreg [dreg:$0x0]  }
0x2: {  	s0 =	srdreg.scid;
	s2 =	rddreg [dreg:$0x1]  }
0x3: {  	s25 =	stileid.u32;
	s3 =	rddreg [dreg:$0x2]  }
0x4: {  	s7 =	simm.s32 $0x0;
	s29 =	simm.s32 $0x3;
	s30 =	simm.s32 $0x4  }
0x5: {  	s31 =	simm.s32 $0x50;
	s28 =	simm.s32 $0x0;
	s0 =	sand.u32 $0x1, s0  }
0x6: {  	s5 =	sshrl.u32 s25, $0x3;
	s6 =	sshll.u32 s25, $0x7;
	s19 =	smul.u32 $0x4F000, s25  }
0x7: {  	[smem:$0x7FF] =	sst s7;
	s9 =	smul.u32 $0x13C00, s25;
	s26 =	sadd.s32 $0x137400, s3  }
0x8: {  	s18 =	sshll.u32 s25, $0xB;
	s12 =	sadd.s32 $0x128400, s3;
	s4 =	smul.u32 $0x27800, s0  }
0x9: {  	p0 =	seq.s32 s25, $0xF;
	s25 =	simm.s32 $0x8F80;
	s5 =	smul.u32 $0x13C00, s5  }
0xa: {  	s17 =	sand.u32 $0x380, s6;
	_ =	strace $0x8000004A;
	s21 =	ssub.s32 $0x2, s0  }
0xb: {  	s0 =	smul.u32 $0x138800, s0;
	[dreg:$0x7] =	wrdreg s26;
	s26 =	simm.s32 $0x2  }
0xc: {  	s8 =	sshrl.u32 s21, $0x1;
	s22 =	sshrl.u32 s19, $0x2;
	s19 =	sadd.s32 $0x12AC00, s3  }
0xd: {  	s4 =	sadd.s32 s4, s5;
	s5 =	sadd.s32 s18, s2;
	s20 =	ssub.s32 s21, s8  }
0xe: {  	s7 =	sadd.s32 s22, s3;
	s23 =	sadd.s32 s9, s0;
	s0 =	sshrl.u32 s0, $0x3  }
0xf: {  	s21 =	sadd.s32 $0x12D400, s3;
	s22 =	sadd.s32 $0x12FC00, s3;
	s4 =	sor.u32 s17, s4  }
0x10: {  	s5 =	sadd.s32 $0x1600, s5;
	s24 =	sadd.s32 $0x11800, s7;
	s13 =	sadd.s32 $0x2800, s7  }
0x11: {  	s14 =	sadd.s32 $0x5000, s7;
	s15 =	sadd.s32 $0x7800, s7;
	s16 =	sadd.s32 $0xA000, s7  }
0x12: {  	s17 =	sadd.s32 $0xC800, s7;
	s18 =	sadd.s32 $0xF000, s7;
	s4 =	sshrl.u32 s4, $0x3  }
0x13: {  	s20 =	smax.u32 s20, $0x1;
	[dreg:$0x5] =	wrdreg s5;
	s4 =	sadd.s32 s4, s2  }
0x14: {  	[dreg:$0x6] =	wrdreg s24;
	s2 =	sadd.s32 $0x13400, s2;
	s4 =	sadd.s32 $0x9600, s4  }
0x15: {  	s24 =	sadd.s32 $0x134C00, s3;
	s0 =	sadd.s32 s2, s0;
	[dreg:$0x4] =	wrdreg s4  }
0x16: {  	s4 =	sshrl.u32 s23, $0x3;
	s11 =	sadd.s32 $0x25080, s0;
	s23 =	sadd.s32 $0x132400, s3  }
0x17: {  	v0 =	vimm.f32 $0.0e+00;
	s0 =	simm.s32 $0x1;
	s10 =	sadd.s32 s2, s4;
	s2 =	simm.s32 $0x6780  }
.LBB2_1:
0x18: {  	s4 =	simm.s32 $0x0  }
0x19: {  	s5 =	rddreg [dreg:$0x4];
	s6 =	simm.s32 $0x80;
	s8 =	simm.s32 $0x400  }
0x1a: {  	[tilespmem:s4], [sflag:$0x3] =	stream.strided.gather [hbm4b:s5+s6], $0x2780, s8, s6, $0x38;
	[tilespmem:$0x1F000] =	vst v63  }
0x1b: {  	s9 =	simm.s32 $0x2780;
	s8 =	rddreg [dreg:$0x5]  }
0x1c: {  	[tilespmem:s9], [sflag:$0x4] =	stream.linear.gather [hbm4b:s8+s4], $0x3E80, $0x38;
	[tilespmem:$0x1F000] =	vst v63  }
0x1d: {  	s5 =	simm.s32 $0x3C0;
	s4 =	simm.s32 $0x70  }
.LBB2_2:
0x1e: {  	p1 =	sne.s32 s5, $0x9FC0;
	[tilespmem:s4+$0x6780] =	vst v0  }
0x1f: {  	[tilespmem:s4+$0x6710] =	vst v0  }
0x20: {  	[tilespmem:s4+$0x6720] =	vst v0  }
.Ltmp0:
0x21: {  	[tilespmem:s4+$0x6730] =	vst v0;
	(pc) =	sbr.rel @p1 .LBB2_2-.Ltmp0, $4  }
0x22: {  	[tilespmem:s4+$0x6740] =	vst v0  }
0x23: {  	[tilespmem:s4+$0x6750] =	vst v0  }
0x24: {  	[tilespmem:s4+$0x6760] =	vst v0  }
0x25: {  	[tilespmem:s4+$0x6770] =	vst v0;
	s4 =	sshra.s32 s5, $0x2;
	s5 =	sadd.s32 $0x200, s5  }
0x26: {  	[tilespmem:s4+$0x6780] =	vst v0  }
0x27: {  	[tilespmem:s4+$0x6710] =	vst v0  }
0x28: {  	[tilespmem:s4+$0x6720] =	vst v0  }
0x29: {  	[tilespmem:s4+$0x6730] =	vst v0  }
0x2a: {  	[tilespmem:s4+$0x6740] =	vst v0  }
0x2b: {  	[tilespmem:s4+$0x6750] =	vst v0  }
0x2c: {  	[tilespmem:s4+$0x6760] =	vst v0  }
0x2d: {  	[tilespmem:s4+$0x6770] =	vst v0;
	s4 =	simm.s32 @p0 $0x6780;
	s5 =	simm.s32 @p0 $0x5  }
0x2e: {  	[spmem:s12] =	stream.linear.scatter @p0 [tilespmem:s4], [sflag:$0x5], $0x2800, $0x38;
	[tilespmem:$0x1F000] =	vst v63  }
0x2f: {  	_ =	swait.ge @p0 [sflag:s5], $0x2800  }
0x30: {  	[sflag:s5] =	ssyncset.done @p0 $0x0  }
0x31: {  	[sflag:s5] =	ssyncadd.s32 @p0 $0xFFFFD800  }
0x32: {  	[spmem:s19] =	stream.linear.scatter @p0 [tilespmem:s4], [sflag:$0x5], $0x2800, $0x38;
	[tilespmem:$0x1F000] =	vst v63  }
0x33: {  	_ =	swait.ge @p0 [sflag:s5], $0x2800  }
0x34: {  	[sflag:s5] =	ssyncset.done @p0 $0x0  }
0x35: {  	[sflag:s5] =	ssyncadd.s32 @p0 $0xFFFFD800  }
0x36: {  	[spmem:s21] =	stream.linear.scatter @p0 [tilespmem:s4], [sflag:$0x5], $0x2800, $0x38;
	[tilespmem:$0x1F000] =	vst v63  }
0x37: {  	_ =	swait.ge @p0 [sflag:s5], $0x2800  }
0x38: {  	[sflag:s5] =	ssyncset.done @p0 $0x0  }
0x39: {  	[sflag:s5] =	ssyncadd.s32 @p0 $0xFFFFD800  }
0x3a: {  	[spmem:s22] =	stream.linear.scatter @p0 [tilespmem:s4], [sflag:$0x5], $0x2800, $0x38;
	[tilespmem:$0x1F000] =	vst v63  }
0x3b: {  	_ =	swait.ge @p0 [sflag:s5], $0x2800  }
0x3c: {  	[sflag:s5] =	ssyncset.done @p0 $0x0  }
0x3d: {  	[sflag:s5] =	ssyncadd.s32 @p0 $0xFFFFD800  }
0x3e: {  	[spmem:s23] =	stream.linear.scatter @p0 [tilespmem:s4], [sflag:$0x5], $0x2800, $0x38;
	[tilespmem:$0x1F000] =	vst v63  }
0x3f: {  	_ =	swait.ge @p0 [sflag:s5], $0x2800  }
0x40: {  	[sflag:s5] =	ssyncset.done @p0 $0x0  }
0x41: {  	[sflag:s5] =	ssyncadd.s32 @p0 $0xFFFFD800  }
0x42: {  	[spmem:s24] =	stream.linear.scatter @p0 [tilespmem:s4], [sflag:$0x5], $0x2800, $0x38;
	[tilespmem:$0x1F000] =	vst v63  }
0x43: {  	_ =	swait.ge @p0 [sflag:s5], $0x2800  }
0x44: {  	[sflag:s5] =	ssyncset.done @p0 $0x0  }
0x45: {  	s6 =	rddreg [dreg:$0x7];
	[sflag:s5] =	ssyncadd.s32 @p0 $0xFFFFD800  }
0x46: {  	[spmem:s6] =	stream.linear.scatter @p0 [tilespmem:s4], [sflag:$0x5], $0x1400, $0x38;
	[tilespmem:$0x1F000] =	vst v63  }
0x47: {  	_ =	swait.ge @p0 [sflag:s5], $0x1400  }
0x48: {  	[sflag:s5] =	ssyncset.done @p0 $0x0  }
0x49: {  	s4 =	simm.s32 @!p0 $0x6780;
	[sflag:s5] =	ssyncadd.s32 @p0 $0xFFFFEC00;
	s5 =	simm.s32 @!p0 $0x5  }
0x4a: {  	[spmem:s7] =	stream.linear.scatter @!p0 [tilespmem:s4], [sflag:$0x5], $0x2800, $0x38;
	[tilespmem:$0x1F000] =	vst v63  }
0x4b: {  	_ =	swait.ge @!p0 [sflag:s5], $0x2800  }
0x4c: {  	[sflag:s5] =	ssyncset.done @!p0 $0x0  }
0x4d: {  	[sflag:s5] =	ssyncadd.s32 @!p0 $0xFFFFD800  }
0x4e: {  	[spmem:s13] =	stream.linear.scatter @!p0 [tilespmem:s4], [sflag:$0x5], $0x2800, $0x38;
	[tilespmem:$0x1F000] =	vst v63  }
0x4f: {  	_ =	swait.ge @!p0 [sflag:s5], $0x2800  }
0x50: {  	[sflag:s5] =	ssyncset.done @!p0 $0x0  }
0x51: {  	[sflag:s5] =	ssyncadd.s32 @!p0 $0xFFFFD800  }
0x52: {  	[spmem:s14] =	stream.linear.scatter @!p0 [tilespmem:s4], [sflag:$0x5], $0x2800, $0x38;
	[tilespmem:$0x1F000] =	vst v63  }
0x53: {  	_ =	swait.ge @!p0 [sflag:s5], $0x2800  }
0x54: {  	[sflag:s5] =	ssyncset.done @!p0 $0x0  }
0x55: {  	[sflag:s5] =	ssyncadd.s32 @!p0 $0xFFFFD800  }
0x56: {  	[spmem:s15] =	stream.linear.scatter @!p0 [tilespmem:s4], [sflag:$0x5], $0x2800, $0x38;
	[tilespmem:$0x1F000] =	vst v63  }
0x57: {  	_ =	swait.ge @!p0 [sflag:s5], $0x2800  }
0x58: {  	[sflag:s5] =	ssyncset.done @!p0 $0x0  }
0x59: {  	[sflag:s5] =	ssyncadd.s32 @!p0 $0xFFFFD800  }
0x5a: {  	[spmem:s16] =	stream.linear.scatter @!p0 [tilespmem:s4], [sflag:$0x5], $0x2800, $0x38;
	[tilespmem:$0x1F000] =	vst v63  }
0x5b: {  	_ =	swait.ge @!p0 [sflag:s5], $0x2800  }
0x5c: {  	[sflag:s5] =	ssyncset.done @!p0 $0x0  }
0x5d: {  	[sflag:s5] =	ssyncadd.s32 @!p0 $0xFFFFD800  }
0x5e: {  	[spmem:s17] =	stream.linear.scatter @!p0 [tilespmem:s4], [sflag:$0x5], $0x2800, $0x38;
	[tilespmem:$0x1F000] =	vst v63  }
0x5f: {  	_ =	swait.ge @!p0 [sflag:s5], $0x2800  }
0x60: {  	[sflag:s5] =	ssyncset.done @!p0 $0x0  }
0x61: {  	[sflag:s5] =	ssyncadd.s32 @!p0 $0xFFFFD800  }
0x62: {  	[spmem:s18] =	stream.linear.scatter @!p0 [tilespmem:s4], [sflag:$0x5], $0x2800, $0x38;
	[tilespmem:$0x1F000] =	vst v63  }
0x63: {  	_ =	swait.ge @!p0 [sflag:s5], $0x2800  }
0x64: {  	[sflag:s5] =	ssyncset.done @!p0 $0x0  }
0x65: {  	s6 =	rddreg [dreg:$0x6];
	[sflag:s5] =	ssyncadd.s32 @!p0 $0xFFFFD800  }
0x66: {  	[spmem:s6] =	stream.linear.scatter @!p0 [tilespmem:s4], [sflag:$0x5], $0x2400, $0x38;
	[tilespmem:$0x1F000] =	vst v63  }
0x67: {  	_ =	swait.ge @!p0 [sflag:s5], $0x2400  }
0x68: {  	[sflag:s5] =	ssyncset.done @!p0 $0x0  }
0x69: {  	[sflag:s5] =	ssyncadd.s32 @!p0 $0xFFFFDC00  }
0x6a: {  	_ =	swait.ge [sflag:s29], $0x2780  }
0x6b: {  	[sflag:s29] =	ssyncset.done $0x0  }
0x6c: {  	[sflag:s29] =	ssyncadd.s32 $0xFFFFD880  }
0x6d: {  	_ =	swait.ge [sflag:s30], $0x3E80  }
0x6e: {  	[sflag:s30] =	ssyncset.done $0x0  }
0x6f: {  	s5 =	simm.s32 $0x0;
	[sflag:s30] =	ssyncadd.s32 $0xFFFFC180  }
0x70: {  	[tilespmem:s2], [sflag:$0x1] =	stream.indirect.gather [hbm4b:s1+s31], $0x80, s5, s31, $0xb8;
	[tilespmem:$0x1F000] =	vst v63  }
0x71: {  	_ = 	snop  }
0x72: {  	[tilespmem:s25], [sflag:$0x2] =	stream.indirect.gather [hbm4b:s1+s31], $0x80, s31, s31, $0xb8;
	[tilespmem:$0x1F000] =	vst v63  }
0x73: {  	[bflag:$0x0] =	sbarrier.arrive $0xFFFF  }
0x74: {  	_ =	swait.ge [sflag:s0], $0x2800  }
0x75: {  	[sflag:s0] =	ssyncset.done $0x0  }
0x76: {  	s6 =	simm.s32 $0x2780;
	[sflag:s0] =	ssyncadd.s32 $0xFFFFD800  }
0x77: {  	[spmem:s3] =	stream.indirect.scatter.add.f32 [tilespmem:s2], [sflag:$0x3], $0x80, s6, s31, $0xb8;
	[tilespmem:$0x1F000] =	vst v63  }
0x78: {  	_ =	swait.ge [sflag:s26], $0x2800  }
0x79: {  	[sflag:s26] =	ssyncset.done $0x0  }
0x7a: {  	s8 =	simm.s32 $0x2800;
	[sflag:s26] =	ssyncadd.s32 $0xFFFFD800  }
0x7b: {  	[spmem:s3] =	stream.indirect.scatter.add.f32 [tilespmem:s25], [sflag:$0x4], $0x80, s8, s31, $0xb8;
	[tilespmem:$0x1F000] =	vst v63  }
0x7c: {  	_ =	swait.ge [sflag:s29], $0x2800  }
0x7d: {  	[sflag:s29] =	ssyncset.done $0x0  }
0x7e: {  	s9 =	simm.s32 $0xA0;
	[sflag:s29] =	ssyncadd.s32 $0xFFFFD800  }
0x7f: {  	[tilespmem:s2], [sflag:$0x1] =	stream.indirect.gather [hbm4b:s1+s31], $0x80, s9, s31, $0xb8;
	[tilespmem:$0x1F000] =	vst v63  }
0x80: {  	_ =	swait.ge [sflag:s30], $0x2800  }
0x81: {  	s4 =	simm.s32 $0xF0;
	[sflag:s30] =	ssyncset.done $0x0  }
0x82: {  	s5 =	simm.s32 $0x400;
	s6 =	simm.s32 $0x190;
	[sflag:s30] =	ssyncadd.s32 $0xFFFFD800  }
.LBB2_4:
0x83: {  	[tilespmem:s25], [sflag:$0x2] =	stream.indirect.gather [hbm4b:s1+s31], $0x80, s4, s31, $0xb8;
	[tilespmem:$0x1F000] =	vst v63  }
0x84: {  	s8 =	smov.u32 s5;
	s4 =	smov.u32 s6  }
0x85: {  	p1 =	sne.s32 s5, $0xF000;
	s5 =	sadd.s32 $0x400, s5;
	_ =	swait.ge [sflag:s0], $0x2800  }
0x86: {  	s8 =	sshra.s32 s8, $0x2;
	[sflag:s0] =	ssyncset.done $0x0  }
0x87: {  	s9 =	sadd.s32 $0x2780, s8;
	[sflag:s0] =	ssyncadd.s32 $0xFFFFD800  }
0x88: {  	[spmem:s3] =	stream.indirect.scatter.add.f32 [tilespmem:s2], [sflag:$0x3], $0x80, s9, s31, $0xb8;
	[tilespmem:$0x1F000] =	vst v63  }
0x89: {  	_ =	swait.ge [sflag:s26], $0x2800  }
0x8a: {  	[sflag:s26] =	ssyncset.done $0x0  }
0x8b: {  	s8 =	sadd.s32 $0x2800, s8;
	[sflag:s26] =	ssyncadd.s32 $0xFFFFD800  }
0x8c: {  	[spmem:s3] =	stream.indirect.scatter.add.f32 [tilespmem:s25], [sflag:$0x4], $0x80, s8, s31, $0xb8;
	[tilespmem:$0x1F000] =	vst v63  }
0x8d: {  	_ =	swait.ge [sflag:s29], $0x2800  }
0x8e: {  	[sflag:s29] =	ssyncset.done $0x0  }
.Ltmp1:
0x8f: {  	s8 =	sadd.s32 $0xFFFFFFB0, s6;
	[sflag:s29] =	ssyncadd.s32 $0xFFFFD800;
	(pc) =	sbr.rel @p1 .LBB2_4-.Ltmp1, $4  }
0x90: {  	[tilespmem:s2], [sflag:$0x1] =	stream.indirect.gather [hbm4b:s1+s31], $0x80, s8, s31, $0xb8;
	[tilespmem:$0x1F000] =	vst v63  }
0x91: {  	_ =	swait.ge [sflag:s30], $0x2800  }
0x92: {  	[sflag:s30] =	ssyncset.done $0x0  }
0x93: {  	s6 =	sadd.s32 $0xA0, s6;
	[sflag:s30] =	ssyncadd.s32 $0xFFFFD800  }
0x94: {  	[tilespmem:s25], [sflag:$0x2] =	stream.indirect.gather [hbm4b:s1+s31], $0x80, s4, s31, $0xb8;
	[tilespmem:$0x1F000] =	vst v63  }
0x95: {  	_ =	swait.ge [sflag:s0], $0x2800  }
0x96: {  	[sflag:s0] =	ssyncset.done $0x0  }
0x97: {  	s5 =	simm.s32 $0x6480;
	[sflag:s0] =	ssyncadd.s32 $0xFFFFD800  }
0x98: {  	[spmem:s3] =	stream.indirect.scatter.add.f32 [tilespmem:s2], [sflag:$0x3], $0x80, s5, s31, $0xb8;
	[tilespmem:$0x1F000] =	vst v63  }
0x99: {  	_ =	swait.ge [sflag:s26], $0x2800  }
0x9a: {  	[sflag:s26] =	ssyncset.done $0x0  }
0x9b: {  	s6 =	simm.s32 $0x6500;
	[sflag:s26] =	ssyncadd.s32 $0xFFFFD800  }
0x9c: {  	[spmem:s3] =	stream.indirect.scatter.add.f32 [tilespmem:s25], [sflag:$0x4], $0x80, s6, s31, $0xb8;
	[tilespmem:$0x1F000] =	vst v63  }
0x9d: {  	_ =	swait.ge [sflag:s29], $0x2800  }
0x9e: {  	[sflag:s29] =	ssyncset.done $0x0  }
0x9f: {  	s8 =	simm.s32 $0x26C0;
	[sflag:s29] =	ssyncadd.s32 $0xFFFFD800  }
0xa0: {  	[tilespmem:s2], [sflag:$0x1] =	stream.indirect.gather [hbm4b:s1+s31], $0x80, s8, s31, $0xb8;
	[tilespmem:$0x1F000] =	vst v63  }
0xa1: {  	_ =	swait.ge [sflag:s0], $0x2800  }
0xa2: {  	[sflag:s0] =	ssyncset.done $0x0  }
0xa3: {  	s9 =	simm.s32 $0x6580;
	[sflag:s0] =	ssyncadd.s32 $0xFFFFD800  }
0xa4: {  	[spmem:s3] =	stream.indirect.scatter.add.f32 [tilespmem:s2], [sflag:$0x3], $0x80, s9, s31, $0xb8;
	[tilespmem:$0x1F000] =	vst v63  }
0xa5: {  	_ =	swait.ge [sflag:s30], $0x2800  }
0xa6: {  	[sflag:s30] =	ssyncset.done $0x0  }
0xa7: {  	[sflag:s30] =	ssyncadd.s32 $0xFFFFD800  }
0xa8: {  	_ =	swait.ge [sflag:s29], $0x2800  }
0xa9: {  	[sflag:s29] =	ssyncset.done $0x0  }
0xaa: {  	[sflag:s29] =	ssyncadd.s32 $0xFFFFD800  }
0xab: {  	s4 =	sshrl.u32 @p0 s12, $0x3;
	s5 =	simm.s32 @p0 $0x1FC5;
	[bflag:$0x0] =	sbarrier.arrive $0xFFFF  }
0xac: {  	[hbm:s11], [sflag:s5] =	dma.local @p0 [spmem:s4], $0x2080  }
0xad: {  	s4 =	simm.s32 @p0 $0x5  }
0xae: {  	s28 =	sadd.s32 $0x1, s28;
	s5 =	stileid.u32;
	_ =	swait.ge @p0 [sflag:s4], $0x2080  }
0xaf: {  	p1 =	sne.s32 s28, s20;
	s5 =	sshll.u32 @!p0 s5, $0x6;
	[sflag:s4] =	ssyncset.done @p0 $0x0  }
0xb0: {  	[sflag:s4] =	ssyncadd.s32 @p0 $0xFFFFDF80;
	s4 =	sor.u32 @!p0 $0x1C05, s5;
	s5 =	sshrl.u32 @!p0 s7, $0x3  }
0xb1: {  	[hbm:s10], [sflag:s4] =	dma.local @!p0 [spmem:s5], $0x2780  }
.Ltmp2:
0xb2: {  	_ = 	snop;
	(pc) =	sbr.rel @p1 .LBB2_1-.Ltmp2, $4  }
0xb3: {  	s4 =	simm.s32 @!p0 $0x5  }
0xb4: {  	_ =	swait.ge @!p0 [sflag:s4], $0x2780  }
0xb5: {  	[sflag:s4] =	ssyncset.done @!p0 $0x0  }
0xb6: {  	[sflag:s4] =	ssyncadd.s32 @!p0 $0xFFFFD880  }
0xb7: {  	_ =	sfence.sel $0x180000  }
0xb8: {  	[bflag:$0x0] =	sbarrier.arrive $0xFFFF  }
0xb9: {  	_ =	strace $0x9000004A  }
0xba: {  	s0 =	stileid.u32;
	[bflag:$0x2] =	sbarrier.arrive $0xFFFF  }
0xbb: {  	p0 =	sne.s32 s0, $0x0;
	s0 =	rddreg [dreg:$0x3]  }
0xbc: {  	s0 =	sadd.s32 @!p0 $0x100000, s0  }
0xbd: {  	[sflag:s0] =	ssyncadd.tile.s32 @!p0 $0x1;
	_ =	shalt  }
.Lfunc_end2:
_tile_overlayer_lowered:
.L_overlay_start_2:
0xbe: {  	(tag) =	ssettag $0x2  }
0xbf: {  	s0 =	rddreg [dreg:$0x0];
	s2 =	stileid.u32  }
0xc0: {  	s1 =	rddreg [dreg:$0x1];
	p0 =	sne.s32 s2, $0x0  }
0xc1: {  	s3 =	rddreg [dreg:$0x2];
	[bflag:$0x3] =	sbarrier.arrive $0xFFFF;
	s2 =	simm.s32 @!p0 $0x1C05  }
0xc2: {  	[timem:s3], [sflag:s2] =	dma.local @!p0 [hbm:s0], s1  }
0xc3: {  	s0 =	simm.s32 @!p0 $0x5  }
0xc4: {  	_ =	swait.ge @!p0 [sflag:s0], s1  }
0xc5: {  	s1 =	ssub.s32 @!p0 $0x0, s1;
	[sflag:s0] =	ssyncset.done @!p0 $0x0  }
0xc6: {  	[sflag:s0] =	ssyncadd.s32 @!p0 s1  }
0xc7: {  	[bflag:$0x3] =	sbarrier.arrive $0xFFFF  }
0xc8: {  	_ =	shalt  }

// kernel: kernel.7.cloned.1.call-start
scs
__scs_entry_jumppad:
0x0: {  	(pc) =	sbr.rel $0x88, $3  }
0x1: {  	(tag) =	ssettag $0x0;
	lr =	simm.s32 $0x1  }
0x2: {  	[smem:$0x3F9A] =	sst lr;
	_ =	strace $0xD0000000  }
0x3: {  	_ = 	snop  }
0x4: {  	_ = 	snop  }
0x5: {  	_ = 	snop  }
0x6: {  	_ = 	snop  }
0x7: {  	_ = 	snop  }
__scs_overlays_trampoline_lowered:
0x8: {  	[smem:$0x3FA9] =	sst s0  }
0x9: {  	[smem:$0x3FAA] =	sst s1  }
0xa: {  	[smem:$0x3FAB] =	sst s2  }
0xb: {  	[smem:$0x3FAC] =	sst s3  }
0xc: {  	[smem:$0x3FAD] =	sst s4  }
0xd: {  	[smem:$0x3FAE] =	sst s5  }
0xe: {  	[smem:$0x3FAF] =	sst s6  }
0xf: {  	[smem:$0x3FB0] =	sst s7  }
0x10: {  	[smem:$0x3FB1] =	sst s8  }
0x11: {  	[smem:$0x3FB2] =	sst s9;
	s0 =	simm.s32 @!p0 $0x0  }
0x12: {  	s1 =	sld [smem:$0x3F98];
	s0 =	simm.s32 @p0 $0x1  }
0x13: {  	[smem:$0x3FB3] =	sst s0;
	s0 =	simm.s32 @!p1 $0x0  }
0x14: {  	s2 =	sld [smem:$0x3F97];
	s0 =	simm.s32 @p1 $0x1  }
0x15: {  	[smem:$0x3FB4] =	sst s0;
	s0 =	simm.s32 @!p2 $0x0  }
0x16: {  	s3 =	sld [smem:$0x3FDB];
	s0 =	simm.s32 @p2 $0x1  }
0x17: {  	s4 =	simm.s32 $0x1BF5;
	[smem:$0x3FB6] =	sst s0  }
0x18: {  	s0 =	sld [smem:$0x3F99];
	_ =	swait.ge [sflag:s4], $0x0  }
0x19: {  	s7 =	sld [smem:$0x3F9A]  }
0x1a: {  	s8 =	sadd.s32 $0xFFFFE003, lr  }
0x1b: {  	s9 =	sadd.s32 $0xFFFFFEF7, lr;
	s5 =	simm.s32 $0xFFFFFFFF;
	p2 =	slt.u32 s8, $0xFFFFF086  }
0x1c: {  	p1 =	slt.u32 s9, $0xF7A;
	s5 =	simm.s32 @!p2 $0x0  }
0x1d: {  	s5 =	simm.s32 @p1 $0x1;
	p0 =	seq.s32 s7, s2  }
0x1e: {  	s7 =	smul.u32 @!p0 $0xF7A, s2;
	p2 =	seq.s32 @!p0 s5, $0x0  }
0x1f: {  	s9 =	smul.u32 $0xF7A, s1;
	s8 =	simm.s32 @!p0 $0x1BF5;
	p2 =	por !p2, p0  }
0x20: {  	[sflag:s8] =	ssyncset.s32 @!p0 $0xFFFFF086;
	s6 =	sadd.s32 @!p0 s3, s7;
	s7 =	simm.s32 @!p0 $0x108  }
0x21: {  	s3 =	sadd.s32 s3, s9;
	s6 =	sadd.s32 @!p0 $0x88, s6;
	s7 =	simm.s32 @p2 $0x1082  }
0x22: {  	[simem:s7], [sflag:s8] =	dma.local @!p0 [hbm:s6], $0xF7A  }
0x23: {  	s9 =	sor.u32 $0xD0000000, s2;
	s6 =	simm.s32 $0x108;
	_ =	swait.ge @!p0 [sflag:s8], $0x0  }
0x24: {  	s3 =	sadd.s32 $0x88, s3;
	s6 =	simm.s32 @!p1 $0x1082;
	[sflag:s4] =	ssyncset.s32 $0xFFFFF086  }
0x25: {  	[simem:s6], [sflag:s4] =	dma.local [hbm:s3], $0xF7A  }
0x26: {  	[smem:$0x3F9A] =	sst s1;
	(tag) =	ssettag s2;
	_ =	strace s9  }
0x27: {  	s1 =	sld [smem:$0x3FAA]  }
0x28: {  	s2 =	sld [smem:$0x3FAB]  }
0x29: {  	s4 =	sld [smem:$0x3FAD]  }
0x2a: {  	p0 =	seq.s32 s5, $0x0;
	s5 =	sld [smem:$0x3FAE]  }
0x2b: {  	s6 =	sld [smem:$0x3FAF]  }
0x2c: {  	s7 =	sld [smem:$0x3FB0]  }
0x2d: {  	s3 =	simm.s32 $0x108;
	s8 =	sld [smem:$0x3FB1]  }
0x2e: {  	s3 =	simm.s32 @!p0 $0x1082;
	s9 =	sld [smem:$0x3FB2]  }
0x2f: {  	lr =	sadd.s32 s0, s3;
	s0 =	sld [smem:$0x3FA9]  }
0x30: {  	s3 =	sld [smem:$0x3FAC]  }
0x31: {  	[smem:$0x3FB5] =	sst s10  }
0x32: {  	s10 =	sld [smem:$0x3FB3];
	_ =	sdelay $0x3  }
0x33: {  	p0 =	seq.s32 s10, $0x1;
	s10 =	sld [smem:$0x3FB5];
	_ =	sdelay $0x3  }
0x34: {  	[smem:$0x3FB5] =	sst s10  }
0x35: {  	s10 =	sld [smem:$0x3FB4];
	_ =	sdelay $0x3  }
0x36: {  	p1 =	seq.s32 s10, $0x1;
	s10 =	sld [smem:$0x3FB5];
	_ =	sdelay $0x3  }
0x37: {  	[smem:$0x3FB5] =	sst s10  }
0x38: {  	s10 =	sld [smem:$0x3FB6]  }
0x39: {  	_ = 	snop;
	(pc) =	sbr.ind lr, $3  }
0x3a: {  	_ = 	snop  }
0x3b: {  	_ = 	snop  }
0x3c: {  	p2 =	seq.s32 s10, $0x1;
	s10 =	sld [smem:$0x3FB5]  }
0x3d: {  	_ =	shalt  }
0x3e: {  	_ =	shalt  }
0x3f: {  	_ =	shalt  }
0x40: {  	_ =	shalt  }
0x41: {  	_ =	shalt  }
0x42: {  	_ =	shalt  }
0x43: {  	_ =	shalt  }
0x44: {  	_ =	shalt  }
0x45: {  	_ =	shalt  }
0x46: {  	_ =	shalt  }
0x47: {  	_ =	shalt  }
0x48: {  	_ =	shalt  }
0x49: {  	_ =	shalt  }
0x4a: {  	_ =	shalt  }
0x4b: {  	_ =	shalt  }
0x4c: {  	_ =	shalt  }
0x4d: {  	_ =	shalt  }
0x4e: {  	_ =	shalt  }
0x4f: {  	_ =	shalt  }
0x50: {  	_ =	shalt  }
0x51: {  	_ =	shalt  }
0x52: {  	_ =	shalt  }
0x53: {  	_ =	shalt  }
0x54: {  	_ =	shalt  }
0x55: {  	_ =	shalt  }
0x56: {  	_ =	shalt  }
0x57: {  	_ =	shalt  }
0x58: {  	_ =	shalt  }
0x59: {  	_ =	shalt  }
0x5a: {  	_ =	shalt  }
0x5b: {  	_ =	shalt  }
0x5c: {  	_ =	shalt  }
0x5d: {  	_ =	shalt  }
0x5e: {  	_ =	shalt  }
0x5f: {  	_ =	shalt  }
0x60: {  	_ =	shalt  }
0x61: {  	_ =	shalt  }
0x62: {  	_ =	shalt  }
0x63: {  	_ =	shalt  }
0x64: {  	_ =	shalt  }
0x65: {  	_ =	shalt  }
0x66: {  	_ =	shalt  }
0x67: {  	_ =	shalt  }
0x68: {  	_ =	shalt  }
0x69: {  	_ =	shalt  }
0x6a: {  	_ =	shalt  }
0x6b: {  	_ =	shalt  }
0x6c: {  	_ =	shalt  }
0x6d: {  	_ =	shalt  }
0x6e: {  	_ =	shalt  }
0x6f: {  	_ =	shalt  }
0x70: {  	_ =	shalt  }
0x71: {  	_ =	shalt  }
0x72: {  	_ =	shalt  }
0x73: {  	_ =	shalt  }
0x74: {  	_ =	shalt  }
0x75: {  	_ =	shalt  }
0x76: {  	_ =	shalt  }
0x77: {  	_ =	shalt  }
0x78: {  	_ =	shalt  }
0x79: {  	_ =	shalt  }
0x7a: {  	_ =	shalt  }
0x7b: {  	_ =	shalt  }
0x7c: {  	_ =	shalt  }
0x7d: {  	_ =	shalt  }
0x7e: {  	_ =	shalt  }
0x7f: {  	_ =	shalt  }
0x80: {  	_ =	shalt  }
0x81: {  	_ =	shalt  }
0x82: {  	_ =	shalt  }
0x83: {  	_ =	shalt  }
0x84: {  	_ =	shalt  }
0x85: {  	_ =	shalt  }
0x86: {  	_ =	shalt  }
0x87: {  	_ =	shalt  }
.Lfunc_end0:
.L_simem_size_0:
called_computation_lowered:
.L_overlay_start_0:
0x88: {  	s2 =	sld [smem:$0x3FD9]  }
0x89: {  	s3 =	sld [smem:$0x3FFE];
	_ =	sdelay $0x1  }
0x8a: {  	s1 =	srdreg.scid  }
0x8b: {  	s0 =	sand.u32 $0x1, s1  }
0x8c: {  	s17 =	sshll.u32 s0, $0xA;
	s2 =	sadd.s32 s3, s2  }
0x8d: {  	s2 =	sadd.s32 s2, s17  }
0x8e: {  	[smem:$0x3FC1] =	sst s2  }
0x8f: {  	_ = 	snop  }
0x90: {  	s2 =	sld [smem:$0x3FD0];
	(tm) =	ssettm $0x1  }
0x91: {  	s18 =	sld [smem:$0x3FFB];
	_ =	sdelay $0x3  }
0x92: {  	_ =	strace s18  }
0x93: {  	s3 =	sld [smem:$0x3FFC];
	_ =	sdelay $0x3  }
0x94: {  	_ =	strace s3  }
0x95: {  	s3 =	sld [smem:$0x3FFD];
	_ =	sdelay $0x3  }
0x96: {  	_ =	strace s3  }
0x97: {  	_ =	strace $0x8FFFFFFF  }
0x98: {  	s19 =	sld [smem:$0x3FDB];
	_ =	sdelay $0x1  }
0x99: {  	s4 =	simm.s32 $_scs_section_size  }
0x9a: {  	s5 =	simm.s32 $_size__tile_overlayer_lowered;
	s6 =	simm.s32 $_tile_overlayer_lowered  }
0x9b: {  	s22 =	simm.s32 $0x1BFF;
	s21 =	sshll.u32 s6, $0x1;
	s3 =	sadd.s32 s4, s19  }
0x9c: {  	s7 =	simm.s32 $0x0;
	s20 =	sshll.u32 s5, $0x1;
	s5 =	sadd.s32 s21, s3  }
0x9d: {  	[timem:s7], [sflag:s22] =	dma.local [hbm:s5], s20  }
0x9e: {  	_ =	swait.ge [sflag:s22], s20  }
0x9f: {  	s4 =	ssub.s32 $0x0, s20;
	[sflag:s22] =	ssyncset.done $0x0  }
0xa0: {  	[sflag:s22] =	ssyncadd.s32 s4;
	_ =	sdelay $0x1  }
0xa1: {  	s23 =	simm.s32 $0x1B8B  }
0xa2: {  	_ =	swait.ge [sflag:s23], $0x1  }
0xa3: {  	[sflag:s23] =	ssyncset.done $0x0  }
0xa4: {  	s25 =	simm.s32 $0x1B8E;
	s24 =	sld [smem:$0x3FFE];
	[sflag:s23] =	ssyncadd.s32 $0xFFFFFFFF  }
0xa5: {  	s26 =	simm.s32 $execute0_lowered;
	[smem:$0x3FD2] =	sst s25  }
0xa6: {  	s5 =	sshll.u32 s26, $0x1;
	_ =	strace $0x80000046;
	[dreg:$0x1] =	wrdreg $0xFFFFFFFF  }
0xa7: {  	s28 =	simm.s32 $_size_execute0_lowered;
	s3 =	sadd.s32 s3, s5;
	[dreg:$0x0] =	wrdreg $0x0  }
0xa8: {  	s5 =	sshll.u32 s28, $0x1;
	[dreg:$0x2] =	wrdreg s3  }
0xa9: {  	[dreg:$0x3] =	wrdreg s5  }
0xaa: {  	[dreg:$0x4] =	wrdreg $0xC0  }
0xab: {  	_ =	task [dreg:s7], $0x5FFFF  }
0xac: {  	[dreg:$0x1] =	wrdreg $0xFFFFFFFF  }
0xad: {  	[dreg:$0x0] =	wrdreg $0x60  }
0xae: {  	[dreg:$0x2] =	wrdreg s2  }
0xaf: {  	[dreg:$0x3] =	wrdreg s24  }
0xb0: {  	[dreg:$0x4] =	wrdreg $0xB7800  }
0xb1: {  	[dreg:$0x5] =	wrdreg $0x9  }
0xb2: {  	_ =	task.clear_ibuf [dreg:s7], $0x6FFFF;
	_ =	strace $0x90000046  }
0xb3: {  	s29 =	simm.s32 $0x9;
	_ =	strace $0x80000048  }
0xb4: {  	_ =	swait.ge [sflag:s29], $0x1  }
0xb5: {  	[sflag:s29] =	ssyncadd.s32 $0xFFFFFFFF  }
0xb6: {  	_ =	strace $0x90000048  }
0xb7: {  	_ =	sfence  }
0xb8: {  	s30 =	sld [smem:$0x0];
	_ =	sdelay $0x2  }
0xb9: {  	s31 =	sshll.u32 s1, $0xD;
	s1 =	sshrl.u32 s1, $0x2  }
0xba: {  	s3 =	sand.u32 $0x4000, s31;
	s1 =	sadd.s32 s1, s30  }
0xbb: {  	s0 =	sor.u32 s3, s0;
	s1 =	sshll.u32 s1, $0x11  }
0xbc: {  	s0 =	sor.u32 s1, s0  }
0xbd: {  	s0 =	sadd.s32 $0x8F2B, s0  }
0xbe: {  	[sflag:s0] =	ssyncadd.remote.s32 $0x1  }
0xbf: {  	_ =	sfence.sel $0xFFFF  }
0xc0: {  	[dreg:$0x0] =	wrdreg $0xFFFFFFFF;
	(pc) =	sbr.abs _section_cstart, $3  }
0xc1: {  	[dreg:$0x1] =	wrdreg $0xFFFFFFFF  }
0xc2: {  	_ =	task.clear_ibuf [dreg:s7], $0x2FFFF;
	_ =	strace $0x9FFFFFFF  }
0xc3: {  	(tm) =	ssettm $0x7FFFFFFF  }
tec
execute0_lowered:
.L_overlay_start_1:
0x0: {  	(tag) =	ssettag $0x1  }
0x1: {  	s1 =	rddreg [dreg:$0x0]  }
0x2: {  	s0 =	srdreg.scid;
	s2 =	rddreg [dreg:$0x1]  }
0x3: {  	s25 =	stileid.u32;
	s3 =	rddreg [dreg:$0x2]  }
0x4: {  	s7 =	simm.s32 $0x0;
	s29 =	simm.s32 $0x3;
	s30 =	simm.s32 $0x4  }
0x5: {  	s31 =	simm.s32 $0x50;
	s28 =	simm.s32 $0x0;
	s0 =	sand.u32 $0x1, s0  }
0x6: {  	s5 =	sshrl.u32 s25, $0x3;
	s6 =	sshll.u32 s25, $0x7;
	s19 =	smul.u32 $0x4F000, s25  }
0x7: {  	[smem:$0x7FF] =	sst s7;
	s9 =	smul.u32 $0x13C00, s25;
	s26 =	sadd.s32 $0x137400, s3  }
0x8: {  	s18 =	sshll.u32 s25, $0xB;
	s12 =	sadd.s32 $0x128400, s3;
	s4 =	smul.u32 $0x27800, s0  }
0x9: {  	p0 =	seq.s32 s25, $0xF;
	s25 =	simm.s32 $0x8F80;
	s5 =	smul.u32 $0x13C00, s5  }
0xa: {  	s17 =	sand.u32 $0x380, s6;
	_ =	strace $0x80000047;
	s21 =	ssub.s32 $0x2, s0  }
0xb: {  	s0 =	smul.u32 $0x138800, s0;
	[dreg:$0x7] =	wrdreg s26;
	s26 =	simm.s32 $0x2  }
0xc: {  	s8 =	sshrl.u32 s21, $0x1;
	s22 =	sshrl.u32 s19, $0x2;
	s19 =	sadd.s32 $0x12AC00, s3  }
0xd: {  	s4 =	sadd.s32 s4, s5;
	s5 =	sadd.s32 s18, s2;
	s20 =	ssub.s32 s21, s8  }
0xe: {  	s7 =	sadd.s32 s22, s3;
	s23 =	sadd.s32 s9, s0;
	s0 =	sshrl.u32 s0, $0x3  }
0xf: {  	s21 =	sadd.s32 $0x12D400, s3;
	s22 =	sadd.s32 $0x12FC00, s3;
	s4 =	sor.u32 s17, s4  }
0x10: {  	s5 =	sadd.s32 $0x1600, s5;
	s24 =	sadd.s32 $0x11800, s7;
	s13 =	sadd.s32 $0x2800, s7  }
0x11: {  	s14 =	sadd.s32 $0x5000, s7;
	s15 =	sadd.s32 $0x7800, s7;
	s16 =	sadd.s32 $0xA000, s7  }
0x12: {  	s17 =	sadd.s32 $0xC800, s7;
	s18 =	sadd.s32 $0xF000, s7;
	s4 =	sshrl.u32 s4, $0x3  }
0x13: {  	s20 =	smax.u32 s20, $0x1;
	[dreg:$0x5] =	wrdreg s5;
	s4 =	sadd.s32 s4, s2  }
0x14: {  	[dreg:$0x6] =	wrdreg s24;
	s2 =	sadd.s32 $0x13400, s2;
	s4 =	sadd.s32 $0x9600, s4  }
0x15: {  	s24 =	sadd.s32 $0x134C00, s3;
	s0 =	sadd.s32 s2, s0;
	[dreg:$0x4] =	wrdreg s4  }
0x16: {  	s4 =	sshrl.u32 s23, $0x3;
	s11 =	sadd.s32 $0x25080, s0;
	s23 =	sadd.s32 $0x132400, s3  }
0x17: {  	v0 =	vimm.f32 $0.0e+00;
	s0 =	simm.s32 $0x1;
	s10 =	sadd.s32 s2, s4;
	s2 =	simm.s32 $0x6780  }
.LBB2_1:
0x18: {  	s4 =	simm.s32 $0x0  }
0x19: {  	s5 =	rddreg [dreg:$0x4];
	s6 =	simm.s32 $0x80;
	s8 =	simm.s32 $0x400  }
0x1a: {  	[tilespmem:s4], [sflag:$0x3] =	stream.strided.gather [hbm4b:s5+s6], $0x2780, s8, s6, $0x38;
	[tilespmem:$0x1F000] =	vst v63  }
0x1b: {  	s9 =	simm.s32 $0x2780;
	s8 =	rddreg [dreg:$0x5]  }
0x1c: {  	[tilespmem:s9], [sflag:$0x4] =	stream.linear.gather [hbm4b:s8+s4], $0x3E80, $0x38;
	[tilespmem:$0x1F000] =	vst v63  }
0x1d: {  	s5 =	simm.s32 $0x3C0;
	s4 =	simm.s32 $0x70  }
.LBB2_2:
0x1e: {  	p1 =	sne.s32 s5, $0x9FC0;
	[tilespmem:s4+$0x6780] =	vst v0  }
0x1f: {  	[tilespmem:s4+$0x6710] =	vst v0  }
0x20: {  	[tilespmem:s4+$0x6720] =	vst v0  }
.Ltmp0:
0x21: {  	[tilespmem:s4+$0x6730] =	vst v0;
	(pc) =	sbr.rel @p1 .LBB2_2-.Ltmp0, $4  }
0x22: {  	[tilespmem:s4+$0x6740] =	vst v0  }
0x23: {  	[tilespmem:s4+$0x6750] =	vst v0  }
0x24: {  	[tilespmem:s4+$0x6760] =	vst v0  }
0x25: {  	[tilespmem:s4+$0x6770] =	vst v0;
	s4 =	sshra.s32 s5, $0x2;
	s5 =	sadd.s32 $0x200, s5  }
0x26: {  	[tilespmem:s4+$0x6780] =	vst v0  }
0x27: {  	[tilespmem:s4+$0x6710] =	vst v0  }
0x28: {  	[tilespmem:s4+$0x6720] =	vst v0  }
0x29: {  	[tilespmem:s4+$0x6730] =	vst v0  }
0x2a: {  	[tilespmem:s4+$0x6740] =	vst v0  }
0x2b: {  	[tilespmem:s4+$0x6750] =	vst v0  }
0x2c: {  	[tilespmem:s4+$0x6760] =	vst v0  }
0x2d: {  	[tilespmem:s4+$0x6770] =	vst v0;
	s4 =	simm.s32 @p0 $0x6780;
	s5 =	simm.s32 @p0 $0x5  }
0x2e: {  	[spmem:s12] =	stream.linear.scatter @p0 [tilespmem:s4], [sflag:$0x5], $0x2800, $0x38;
	[tilespmem:$0x1F000] =	vst v63  }
0x2f: {  	_ =	swait.ge @p0 [sflag:s5], $0x2800  }
0x30: {  	[sflag:s5] =	ssyncset.done @p0 $0x0  }
0x31: {  	[sflag:s5] =	ssyncadd.s32 @p0 $0xFFFFD800  }
0x32: {  	[spmem:s19] =	stream.linear.scatter @p0 [tilespmem:s4], [sflag:$0x5], $0x2800, $0x38;
	[tilespmem:$0x1F000] =	vst v63  }
0x33: {  	_ =	swait.ge @p0 [sflag:s5], $0x2800  }
0x34: {  	[sflag:s5] =	ssyncset.done @p0 $0x0  }
0x35: {  	[sflag:s5] =	ssyncadd.s32 @p0 $0xFFFFD800  }
0x36: {  	[spmem:s21] =	stream.linear.scatter @p0 [tilespmem:s4], [sflag:$0x5], $0x2800, $0x38;
	[tilespmem:$0x1F000] =	vst v63  }
0x37: {  	_ =	swait.ge @p0 [sflag:s5], $0x2800  }
0x38: {  	[sflag:s5] =	ssyncset.done @p0 $0x0  }
0x39: {  	[sflag:s5] =	ssyncadd.s32 @p0 $0xFFFFD800  }
0x3a: {  	[spmem:s22] =	stream.linear.scatter @p0 [tilespmem:s4], [sflag:$0x5], $0x2800, $0x38;
	[tilespmem:$0x1F000] =	vst v63  }
0x3b: {  	_ =	swait.ge @p0 [sflag:s5], $0x2800  }
0x3c: {  	[sflag:s5] =	ssyncset.done @p0 $0x0  }
0x3d: {  	[sflag:s5] =	ssyncadd.s32 @p0 $0xFFFFD800  }
0x3e: {  	[spmem:s23] =	stream.linear.scatter @p0 [tilespmem:s4], [sflag:$0x5], $0x2800, $0x38;
	[tilespmem:$0x1F000] =	vst v63  }
0x3f: {  	_ =	swait.ge @p0 [sflag:s5], $0x2800  }
0x40: {  	[sflag:s5] =	ssyncset.done @p0 $0x0  }
0x41: {  	[sflag:s5] =	ssyncadd.s32 @p0 $0xFFFFD800  }
0x42: {  	[spmem:s24] =	stream.linear.scatter @p0 [tilespmem:s4], [sflag:$0x5], $0x2800, $0x38;
	[tilespmem:$0x1F000] =	vst v63  }
0x43: {  	_ =	swait.ge @p0 [sflag:s5], $0x2800  }
0x44: {  	[sflag:s5] =	ssyncset.done @p0 $0x0  }
0x45: {  	s6 =	rddreg [dreg:$0x7];
	[sflag:s5] =	ssyncadd.s32 @p0 $0xFFFFD800  }
0x46: {  	[spmem:s6] =	stream.linear.scatter @p0 [tilespmem:s4], [sflag:$0x5], $0x1400, $0x38;
	[tilespmem:$0x1F000] =	vst v63  }
0x47: {  	_ =	swait.ge @p0 [sflag:s5], $0x1400  }
0x48: {  	[sflag:s5] =	ssyncset.done @p0 $0x0  }
0x49: {  	s4 =	simm.s32 @!p0 $0x6780;
	[sflag:s5] =	ssyncadd.s32 @p0 $0xFFFFEC00;
	s5 =	simm.s32 @!p0 $0x5  }
0x4a: {  	[spmem:s7] =	stream.linear.scatter @!p0 [tilespmem:s4], [sflag:$0x5], $0x2800, $0x38;
	[tilespmem:$0x1F000] =	vst v63  }
0x4b: {  	_ =	swait.ge @!p0 [sflag:s5], $0x2800  }
0x4c: {  	[sflag:s5] =	ssyncset.done @!p0 $0x0  }
0x4d: {  	[sflag:s5] =	ssyncadd.s32 @!p0 $0xFFFFD800  }
0x4e: {  	[spmem:s13] =	stream.linear.scatter @!p0 [tilespmem:s4], [sflag:$0x5], $0x2800, $0x38;
	[tilespmem:$0x1F000] =	vst v63  }
0x4f: {  	_ =	swait.ge @!p0 [sflag:s5], $0x2800  }
0x50: {  	[sflag:s5] =	ssyncset.done @!p0 $0x0  }
0x51: {  	[sflag:s5] =	ssyncadd.s32 @!p0 $0xFFFFD800  }
0x52: {  	[spmem:s14] =	stream.linear.scatter @!p0 [tilespmem:s4], [sflag:$0x5], $0x2800, $0x38;
	[tilespmem:$0x1F000] =	vst v63  }
0x53: {  	_ =	swait.ge @!p0 [sflag:s5], $0x2800  }
0x54: {  	[sflag:s5] =	ssyncset.done @!p0 $0x0  }
0x55: {  	[sflag:s5] =	ssyncadd.s32 @!p0 $0xFFFFD800  }
0x56: {  	[spmem:s15] =	stream.linear.scatter @!p0 [tilespmem:s4], [sflag:$0x5], $0x2800, $0x38;
	[tilespmem:$0x1F000] =	vst v63  }
0x57: {  	_ =	swait.ge @!p0 [sflag:s5], $0x2800  }
0x58: {  	[sflag:s5] =	ssyncset.done @!p0 $0x0  }
0x59: {  	[sflag:s5] =	ssyncadd.s32 @!p0 $0xFFFFD800  }
0x5a: {  	[spmem:s16] =	stream.linear.scatter @!p0 [tilespmem:s4], [sflag:$0x5], $0x2800, $0x38;
	[tilespmem:$0x1F000] =	vst v63  }
0x5b: {  	_ =	swait.ge @!p0 [sflag:s5], $0x2800  }
0x5c: {  	[sflag:s5] =	ssyncset.done @!p0 $0x0  }
0x5d: {  	[sflag:s5] =	ssyncadd.s32 @!p0 $0xFFFFD800  }
0x5e: {  	[spmem:s17] =	stream.linear.scatter @!p0 [tilespmem:s4], [sflag:$0x5], $0x2800, $0x38;
	[tilespmem:$0x1F000] =	vst v63  }
0x5f: {  	_ =	swait.ge @!p0 [sflag:s5], $0x2800  }
0x60: {  	[sflag:s5] =	ssyncset.done @!p0 $0x0  }
0x61: {  	[sflag:s5] =	ssyncadd.s32 @!p0 $0xFFFFD800  }
0x62: {  	[spmem:s18] =	stream.linear.scatter @!p0 [tilespmem:s4], [sflag:$0x5], $0x2800, $0x38;
	[tilespmem:$0x1F000] =	vst v63  }
0x63: {  	_ =	swait.ge @!p0 [sflag:s5], $0x2800  }
0x64: {  	[sflag:s5] =	ssyncset.done @!p0 $0x0  }
0x65: {  	s6 =	rddreg [dreg:$0x6];
	[sflag:s5] =	ssyncadd.s32 @!p0 $0xFFFFD800  }
0x66: {  	[spmem:s6] =	stream.linear.scatter @!p0 [tilespmem:s4], [sflag:$0x5], $0x2400, $0x38;
	[tilespmem:$0x1F000] =	vst v63  }
0x67: {  	_ =	swait.ge @!p0 [sflag:s5], $0x2400  }
0x68: {  	[sflag:s5] =	ssyncset.done @!p0 $0x0  }
0x69: {  	[sflag:s5] =	ssyncadd.s32 @!p0 $0xFFFFDC00  }
0x6a: {  	_ =	swait.ge [sflag:s29], $0x2780  }
0x6b: {  	[sflag:s29] =	ssyncset.done $0x0  }
0x6c: {  	[sflag:s29] =	ssyncadd.s32 $0xFFFFD880  }
0x6d: {  	_ =	swait.ge [sflag:s30], $0x3E80  }
0x6e: {  	[sflag:s30] =	ssyncset.done $0x0  }
0x6f: {  	s5 =	simm.s32 $0x0;
	[sflag:s30] =	ssyncadd.s32 $0xFFFFC180  }
0x70: {  	[tilespmem:s2], [sflag:$0x1] =	stream.indirect.gather [hbm4b:s1+s31], $0x80, s5, s31, $0xb8;
	[tilespmem:$0x1F000] =	vst v63  }
0x71: {  	_ = 	snop  }
0x72: {  	[tilespmem:s25], [sflag:$0x2] =	stream.indirect.gather [hbm4b:s1+s31], $0x80, s31, s31, $0xb8;
	[tilespmem:$0x1F000] =	vst v63  }
0x73: {  	[bflag:$0x0] =	sbarrier.arrive $0xFFFF  }
0x74: {  	_ =	swait.ge [sflag:s0], $0x2800  }
0x75: {  	[sflag:s0] =	ssyncset.done $0x0  }
0x76: {  	s6 =	simm.s32 $0x2780;
	[sflag:s0] =	ssyncadd.s32 $0xFFFFD800  }
0x77: {  	[spmem:s3] =	stream.indirect.scatter.add.f32 [tilespmem:s2], [sflag:$0x3], $0x80, s6, s31, $0xb8;
	[tilespmem:$0x1F000] =	vst v63  }
0x78: {  	_ =	swait.ge [sflag:s26], $0x2800  }
0x79: {  	[sflag:s26] =	ssyncset.done $0x0  }
0x7a: {  	s8 =	simm.s32 $0x2800;
	[sflag:s26] =	ssyncadd.s32 $0xFFFFD800  }
0x7b: {  	[spmem:s3] =	stream.indirect.scatter.add.f32 [tilespmem:s25], [sflag:$0x4], $0x80, s8, s31, $0xb8;
	[tilespmem:$0x1F000] =	vst v63  }
0x7c: {  	_ =	swait.ge [sflag:s29], $0x2800  }
0x7d: {  	[sflag:s29] =	ssyncset.done $0x0  }
0x7e: {  	s9 =	simm.s32 $0xA0;
	[sflag:s29] =	ssyncadd.s32 $0xFFFFD800  }
0x7f: {  	[tilespmem:s2], [sflag:$0x1] =	stream.indirect.gather [hbm4b:s1+s31], $0x80, s9, s31, $0xb8;
	[tilespmem:$0x1F000] =	vst v63  }
0x80: {  	_ =	swait.ge [sflag:s30], $0x2800  }
0x81: {  	s4 =	simm.s32 $0xF0;
	[sflag:s30] =	ssyncset.done $0x0  }
0x82: {  	s5 =	simm.s32 $0x400;
	s6 =	simm.s32 $0x190;
	[sflag:s30] =	ssyncadd.s32 $0xFFFFD800  }
.LBB2_4:
0x83: {  	[tilespmem:s25], [sflag:$0x2] =	stream.indirect.gather [hbm4b:s1+s31], $0x80, s4, s31, $0xb8;
	[tilespmem:$0x1F000] =	vst v63  }
0x84: {  	s8 =	smov.u32 s5;
	s4 =	smov.u32 s6  }
0x85: {  	p1 =	sne.s32 s5, $0xF000;
	s5 =	sadd.s32 $0x400, s5;
	_ =	swait.ge [sflag:s0], $0x2800  }
0x86: {  	s8 =	sshra.s32 s8, $0x2;
	[sflag:s0] =	ssyncset.done $0x0  }
0x87: {  	s9 =	sadd.s32 $0x2780, s8;
	[sflag:s0] =	ssyncadd.s32 $0xFFFFD800  }
0x88: {  	[spmem:s3] =	stream.indirect.scatter.add.f32 [tilespmem:s2], [sflag:$0x3], $0x80, s9, s31, $0xb8;
	[tilespmem:$0x1F000] =	vst v63  }
0x89: {  	_ =	swait.ge [sflag:s26], $0x2800  }
0x8a: {  	[sflag:s26] =	ssyncset.done $0x0  }
0x8b: {  	s8 =	sadd.s32 $0x2800, s8;
	[sflag:s26] =	ssyncadd.s32 $0xFFFFD800  }
0x8c: {  	[spmem:s3] =	stream.indirect.scatter.add.f32 [tilespmem:s25], [sflag:$0x4], $0x80, s8, s31, $0xb8;
	[tilespmem:$0x1F000] =	vst v63  }
0x8d: {  	_ =	swait.ge [sflag:s29], $0x2800  }
0x8e: {  	[sflag:s29] =	ssyncset.done $0x0  }
.Ltmp1:
0x8f: {  	s8 =	sadd.s32 $0xFFFFFFB0, s6;
	[sflag:s29] =	ssyncadd.s32 $0xFFFFD800;
	(pc) =	sbr.rel @p1 .LBB2_4-.Ltmp1, $4  }
0x90: {  	[tilespmem:s2], [sflag:$0x1] =	stream.indirect.gather [hbm4b:s1+s31], $0x80, s8, s31, $0xb8;
	[tilespmem:$0x1F000] =	vst v63  }
0x91: {  	_ =	swait.ge [sflag:s30], $0x2800  }
0x92: {  	[sflag:s30] =	ssyncset.done $0x0  }
0x93: {  	s6 =	sadd.s32 $0xA0, s6;
	[sflag:s30] =	ssyncadd.s32 $0xFFFFD800  }
0x94: {  	[tilespmem:s25], [sflag:$0x2] =	stream.indirect.gather [hbm4b:s1+s31], $0x80, s4, s31, $0xb8;
	[tilespmem:$0x1F000] =	vst v63  }
0x95: {  	_ =	swait.ge [sflag:s0], $0x2800  }
0x96: {  	[sflag:s0] =	ssyncset.done $0x0  }
0x97: {  	s5 =	simm.s32 $0x6480;
	[sflag:s0] =	ssyncadd.s32 $0xFFFFD800  }
0x98: {  	[spmem:s3] =	stream.indirect.scatter.add.f32 [tilespmem:s2], [sflag:$0x3], $0x80, s5, s31, $0xb8;
	[tilespmem:$0x1F000] =	vst v63  }
0x99: {  	_ =	swait.ge [sflag:s26], $0x2800  }
0x9a: {  	[sflag:s26] =	ssyncset.done $0x0  }
0x9b: {  	s6 =	simm.s32 $0x6500;
	[sflag:s26] =	ssyncadd.s32 $0xFFFFD800  }
0x9c: {  	[spmem:s3] =	stream.indirect.scatter.add.f32 [tilespmem:s25], [sflag:$0x4], $0x80, s6, s31, $0xb8;
	[tilespmem:$0x1F000] =	vst v63  }
0x9d: {  	_ =	swait.ge [sflag:s29], $0x2800  }
0x9e: {  	[sflag:s29] =	ssyncset.done $0x0  }
0x9f: {  	s8 =	simm.s32 $0x26C0;
	[sflag:s29] =	ssyncadd.s32 $0xFFFFD800  }
0xa0: {  	[tilespmem:s2], [sflag:$0x1] =	stream.indirect.gather [hbm4b:s1+s31], $0x80, s8, s31, $0xb8;
	[tilespmem:$0x1F000] =	vst v63  }
0xa1: {  	_ =	swait.ge [sflag:s0], $0x2800  }
0xa2: {  	[sflag:s0] =	ssyncset.done $0x0  }
0xa3: {  	s9 =	simm.s32 $0x6580;
	[sflag:s0] =	ssyncadd.s32 $0xFFFFD800  }
0xa4: {  	[spmem:s3] =	stream.indirect.scatter.add.f32 [tilespmem:s2], [sflag:$0x3], $0x80, s9, s31, $0xb8;
	[tilespmem:$0x1F000] =	vst v63  }
0xa5: {  	_ =	swait.ge [sflag:s30], $0x2800  }
0xa6: {  	[sflag:s30] =	ssyncset.done $0x0  }
0xa7: {  	[sflag:s30] =	ssyncadd.s32 $0xFFFFD800  }
0xa8: {  	_ =	swait.ge [sflag:s29], $0x2800  }
0xa9: {  	[sflag:s29] =	ssyncset.done $0x0  }
0xaa: {  	[sflag:s29] =	ssyncadd.s32 $0xFFFFD800  }
0xab: {  	s4 =	sshrl.u32 @p0 s12, $0x3;
	s5 =	simm.s32 @p0 $0x1FC5;
	[bflag:$0x0] =	sbarrier.arrive $0xFFFF  }
0xac: {  	[hbm:s11], [sflag:s5] =	dma.local @p0 [spmem:s4], $0x2080  }
0xad: {  	s4 =	simm.s32 @p0 $0x5  }
0xae: {  	s28 =	sadd.s32 $0x1, s28;
	s5 =	stileid.u32;
	_ =	swait.ge @p0 [sflag:s4], $0x2080  }
0xaf: {  	p1 =	sne.s32 s28, s20;
	s5 =	sshll.u32 @!p0 s5, $0x6;
	[sflag:s4] =	ssyncset.done @p0 $0x0  }
0xb0: {  	[sflag:s4] =	ssyncadd.s32 @p0 $0xFFFFDF80;
	s4 =	sor.u32 @!p0 $0x1C05, s5;
	s5 =	sshrl.u32 @!p0 s7, $0x3  }
0xb1: {  	[hbm:s10], [sflag:s4] =	dma.local @!p0 [spmem:s5], $0x2780  }
.Ltmp2:
0xb2: {  	_ = 	snop;
	(pc) =	sbr.rel @p1 .LBB2_1-.Ltmp2, $4  }
0xb3: {  	s4 =	simm.s32 @!p0 $0x5  }
0xb4: {  	_ =	swait.ge @!p0 [sflag:s4], $0x2780  }
0xb5: {  	[sflag:s4] =	ssyncset.done @!p0 $0x0  }
0xb6: {  	[sflag:s4] =	ssyncadd.s32 @!p0 $0xFFFFD880  }
0xb7: {  	_ =	sfence.sel $0x180000  }
0xb8: {  	[bflag:$0x0] =	sbarrier.arrive $0xFFFF  }
0xb9: {  	_ =	strace $0x90000047  }
0xba: {  	s0 =	stileid.u32;
	[bflag:$0x2] =	sbarrier.arrive $0xFFFF  }
0xbb: {  	p0 =	sne.s32 s0, $0x0;
	s0 =	rddreg [dreg:$0x3]  }
0xbc: {  	s0 =	sadd.s32 @!p0 $0x100000, s0  }
0xbd: {  	[sflag:s0] =	ssyncadd.tile.s32 @!p0 $0x1;
	_ =	shalt  }
.Lfunc_end2:
_tile_overlayer_lowered:
.L_overlay_start_2:
0xbe: {  	(tag) =	ssettag $0x2  }
0xbf: {  	s0 =	rddreg [dreg:$0x0];
	s2 =	stileid.u32  }
0xc0: {  	s1 =	rddreg [dreg:$0x1];
	p0 =	sne.s32 s2, $0x0  }
0xc1: {  	s3 =	rddreg [dreg:$0x2];
	[bflag:$0x3] =	sbarrier.arrive $0xFFFF;
	s2 =	simm.s32 @!p0 $0x1C05  }
0xc2: {  	[timem:s3], [sflag:s2] =	dma.local @!p0 [hbm:s0], s1  }
0xc3: {  	s0 =	simm.s32 @!p0 $0x5  }
0xc4: {  	_ =	swait.ge @!p0 [sflag:s0], s1  }
0xc5: {  	s1 =	ssub.s32 @!p0 $0x0, s1;
	[sflag:s0] =	ssyncset.done @!p0 $0x0  }
0xc6: {  	[sflag:s0] =	ssyncadd.s32 @!p0 s1  }
0xc7: {  	[bflag:$0x3] =	sbarrier.arrive $0xFFFF  }
0xc8: {  	_ =	shalt  }

</sc_bundles>
